<compile_context>
chip_gen: v7x
topology: tpu7x:2x2x1
jax: 0.10.2.dev20260603
libtpu: 0.0.44.dev20260713+nightly
codegen_flags: <defaults>
</compile_context>

<pallas_src>
import functools

import jax
import jax.numpy as jnp
from jax import lax
from jax.experimental import pallas as pl
from jax.experimental.pallas import tpu as pltpu
from jax.experimental.pallas import tpu_sc as plsc

NR_CATE = 26
CATE_PAD = 32
BATCH = 16384
NR_FEAT = 128

NC = 2
NS = 16
L = 16
NW = NC * NS
BPW = BATCH // NW
CHUNK = 128
NCH = BPW // CHUNK


def kernel(x, label):
    mesh = plsc.VectorSubcoreMesh(core_axis_name="c", subcore_axis_name="s")

    @functools.partial(
        pl.kernel,
        mesh=mesh,
        out_type=jax.ShapeDtypeStruct((BATCH, NR_FEAT), jnp.float32),
        scratch_types=[
            pltpu.VMEM((BPW,), jnp.int32),
            pltpu.VMEM((NCH, CHUNK), jnp.int32),
            pltpu.VMEM((BPW, NR_FEAT), jnp.float32),
            pltpu.SemaphoreType.DMA,
            pltpu.SemaphoreType.DMA,
            pltpu.SemaphoreType.DMA,
            pltpu.SemaphoreType.DMA,
        ],
    )
    def k(x_hbm, label_hbm, out_hbm, label_v, idx_v, rows_v, s0, s1, s2, s3):
        wid = lax.axis_index("s") * NC + lax.axis_index("c")
        base = wid * BPW
        sems = (s0, s1, s2, s3)
        pltpu.sync_copy(label_hbm.at[pl.ds(base, BPW)], label_v)
        lane = lax.iota(jnp.int32, L)
        table = x_hbm.at[0]
        copies = []
        for g in range(BPW // L):
            off = g * L
            lab = label_v[pl.ds(off, L)]
            idxv = (base + off + lane) * CATE_PAD + lab
            copies.append(
                pltpu.async_copy(
                    table.at[idxv], rows_v.at[pl.ds(off, L)], sems[g % 4]
                )
            )
        for cp in copies:
            cp.wait()
        pltpu.sync_copy(rows_v, out_hbm.at[pl.ds(base, BPW)])

    return k(x, label)

# --- scband reference (transcript-rebuilt; emitter-appended) ---
"""Pipeline reference for scband-maskout-24352464568579 (READ-ONLY COPY).

The authoritative reference and input builder live on the scoring server;
editing this copy changes nothing except your own understanding.
"""

import jax, jax.numpy as jnp
import numpy as np

NR_CATE = 26
BATCH = 16384
NR_FEAT = 128


def setup_inputs(seed: int = 0) -> dict:
    key = jax.random.key(seed)
    k1, k2 = jax.random.split(key)
    x = jax.random.normal(k1, (BATCH, NR_CATE, NR_FEAT), dtype=jnp.float32)
    label = jax.random.randint(k2, (BATCH,), 0, NR_CATE, dtype=jnp.int32)
    return {"x": x, "label": label}


def reference(x, label):
    batchsize, _nr_cate = x.shape[0], x.shape[1]
    assert _nr_cate == NR_CATE
    assert batchsize == label.shape[0]
    item_inds = jnp.arange(batchsize)
    cate_ind = label.reshape(batchsize)
    masked_shape = (batchsize,) + x.shape[2:]
    out = x[item_inds, cate_ind].reshape(*masked_shape)
    return out

if __name__ == "__main__":
    import jax
    _d = setup_inputs()
    print(jax.jit(kernel)(*tuple(_d.values())))

</pallas_src>

<mosaic_0001>
#map = affine_map<(d0, d1) -> (0, 0, 0)>
#map1 = affine_map<(d0, d1) -> (0)>
#map2 = affine_map<(d0, d1) -> (0, 0)>
module attributes {stable_mosaic.version = 14 : i64} {
  func.func @k(%arg0: i32, %arg1: i32, %arg2: memref<16384x26x128xf32, #tpu.memory_space<hbm>>, %arg3: memref<16384xi32, #tpu.memory_space<hbm>>, %arg4: memref<16384x128xf32, #tpu.memory_space<hbm>>, %arg5: memref<512xi32, #tpu.memory_space<vmem>>, %arg6: memref<4x128xi32, #tpu.memory_space<vmem>>, %arg7: memref<512x128xf32, #tpu.memory_space<vmem>>, %arg8: memref<!tpu.dma_semaphore, #tpu.memory_space<semaphore_mem>>, %arg9: memref<!tpu.dma_semaphore, #tpu.memory_space<semaphore_mem>>, %arg10: memref<!tpu.dma_semaphore, #tpu.memory_space<semaphore_mem>>, %arg11: memref<!tpu.dma_semaphore, #tpu.memory_space<semaphore_mem>>) attributes {dimension_semantics = [#tpu.dimension_semantics<core_parallel>, #tpu.dimension_semantics<subcore_parallel>], iteration_bounds = array<i64: 2, 16>, scalar_prefetch = 0 : i64, scratch_operands = 7 : i64, tpu.core_type = #tpu.core_type<sc_vector_subcore>, window_params = [{transform_indices = #map}, {transform_indices = #map1}, {transform_indices = #map2}]} {
    %mul3A = arith.constant 2 : i32
    %mul3A_0 = arith.muli %arg1, %mul3A : i32
    %add3A = arith.addi %mul3A_0, %arg0 : i32
    %mul3A_1 = arith.constant 512 : i32
    %mul3A_2 = arith.muli %add3A, %mul3A_1 : i32
    "tpu.region"() ({
      %run_scoped3A = tpu.sem_alloc : memref<!tpu.dma_semaphore, #tpu.memory_space<semaphore_mem>>
      %dma_start3A_1056 = tpu.memref_slice %arg3[%mul3A_2] : memref<16384xi32, #tpu.memory_space<hbm>> -> memref<512xi32, #tpu.memory_space<hbm>>
      %dma_start3A_1057 = tpu.memref_slice %arg3[%mul3A_2] : memref<16384xi32, #tpu.memory_space<hbm>> -> memref<512xi32, #tpu.memory_space<hbm>>
      tpu.enqueue_dma source(%dma_start3A_1057 : memref<512xi32, #tpu.memory_space<hbm>>) target(%arg5 : memref<512xi32, #tpu.memory_space<vmem>>) target_semaphore(%run_scoped3A : memref<!tpu.dma_semaphore, #tpu.memory_space<semaphore_mem>>)
      %dma_wait3A_1058 = tpu.memref_slice %arg3[%mul3A_2] : memref<16384xi32, #tpu.memory_space<hbm>> -> memref<512xi32, #tpu.memory_space<hbm>>
      %dma_wait3A_1059 = tpu.memref_slice %arg3[%mul3A_2] : memref<16384xi32, #tpu.memory_space<hbm>> -> memref<512xi32, #tpu.memory_space<hbm>>
      tpu.wait_dma2 semaphore(%run_scoped3A : memref<!tpu.dma_semaphore, #tpu.memory_space<semaphore_mem>>) src(%dma_wait3A_1059 : memref<512xi32, #tpu.memory_space<hbm>>) dst(%arg5 : memref<512xi32, #tpu.memory_space<vmem>>)
      tpu.yield
    }) : () -> ()
    %iota3A = tpu.iota {dimensions = array<i32: 0>} : vector<16xi32>
    %get3A = arith.constant 0 : index
    %get3A_3 = tpu.vector_load %arg5[%get3A] {strides = array<i32>} : memref<512xi32, #tpu.memory_space<vmem>>, vector<16xi32>,
    %get3A_4 = vector.shape_cast %get3A_3 : vector<16xi32> to vector<16xi32>
    %add3A_5 = arith.constant 0 : i32
    %add3A_6 = arith.addi %mul3A_2, %add3A_5 : i32
    %add3A_7 = vector.broadcast %add3A_6 : i32 to vector<16xi32>
    %add3A_8 = arith.addi %add3A_7, %iota3A : vector<16xi32>
    %mul3A_9 = arith.constant 32 : i32
    %mul3A_10 = vector.broadcast %mul3A_9 : i32 to vector<16xi32>
    %mul3A_11 = arith.muli %add3A_8, %mul3A_10 : vector<16xi32>
    %add3A_12 = arith.addi %mul3A_11, %get3A_4 : vector<16xi32>
    %dma_start3A = arith.constant 0 : i32
    %dma_start3A_13 = arith.constant 0 : i32
    %dma_start3A_14 = arith.constant 0 : i32
    %dma_start3A_15 = tpu.memref_slice %arg7[%dma_start3A_13, %dma_start3A_14] : memref<512x128xf32, #tpu.memory_space<vmem>> -> memref<16x128xf32, #tpu.memory_space<vmem>>
    %dma_start3A_16 = arith.constant 0 : i32
    %dma_start3A_17 = arith.constant 0 : i32
    %dma_start3A_18 = tpu.memref_slice %arg2[%dma_start3A, %dma_start3A_16, %dma_start3A_17] : memref<16384x26x128xf32, #tpu.memory_space<hbm>> -> memref<1x26x128xf32, #tpu.memory_space<hbm>>
    %dma_start3A_19 = tpu.memref_squeeze %dma_start3A_18 : memref<1x26x128xf32, #tpu.memory_space<hbm>> -> memref<26x128xf32, #tpu.memory_space<hbm>>
    %dma_start3A_20 = arith.constant 0 : i32
    %dma_start3A_21 = arith.constant 0 : i32
    %dma_start3A_22 = tpu.memref_slice %dma_start3A_19[%dma_start3A_20, %dma_start3A_21] : memref<26x128xf32, #tpu.memory_space<hbm>> -> memref<26x128xf32, #tpu.memory_space<hbm>>
    tpu.enqueue_indirect_dma source(%dma_start3A_22 : memref<26x128xf32, #tpu.memory_space<hbm>>) target(%dma_start3A_15 : memref<16x128xf32, #tpu.memory_space<vmem>>) offsets(%add3A_12 : vector<16xi32>) semaphore(%arg8 : memref<!tpu.dma_semaphore, #tpu.memory_space<semaphore_mem>>)
    %get3A_23 = arith.constant 16 : index
    %get3A_24 = tpu.vector_load %arg5[%get3A_23] {strides = array<i32>} : memref<512xi32, #tpu.memory_space<vmem>>, vector<16xi32>,
    %get3A_25 = vector.shape_cast %get3A_24 : vector<16xi32> to vector<16xi32>
    %add3A_26 = arith.constant 16 : i32
    %add3A_27 = arith.addi %mul3A_2, %add3A_26 : i32
    %add3A_28 = vector.broadcast %add3A_27 : i32 to vector<16xi32>
    %add3A_29 = arith.addi %add3A_28, %iota3A : vector<16xi32>
    %mul3A_30 = arith.constant 32 : i32
    %mul3A_31 = vector.broadcast %mul3A_30 : i32 to vector<16xi32>
    %mul3A_32 = arith.muli %add3A_29, %mul3A_31 : vector<16xi32>
    %add3A_33 = arith.addi %mul3A_32, %get3A_25 : vector<16xi32>
    %dma_start3A_34 = arith.constant 0 : i32
    %dma_start3A_35 = arith.constant 16 : i32
    %dma_start3A_36 = arith.constant 0 : i32
    %dma_start3A_37 = tpu.memref_slice %arg7[%dma_start3A_35, %dma_start3A_36] : memref<512x128xf32, #tpu.memory_space<vmem>> -> memref<16x128xf32, #tpu.memory_space<vmem>>
    %dma_start3A_38 = arith.constant 0 : i32
    %dma_start3A_39 = arith.constant 0 : i32
    %dma_start3A_40 = tpu.memref_slice %arg2[%dma_start3A_34, %dma_start3A_38, %dma_start3A_39] : memref<16384x26x128xf32, #tpu.memory_space<hbm>> -> memref<1x26x128xf32, #tpu.memory_space<hbm>>
    %dma_start3A_41 = tpu.memref_squeeze %dma_start3A_40 : memref<1x26x128xf32, #tpu.memory_space<hbm>> -> memref<26x128xf32, #tpu.memory_space<hbm>>
    %dma_start3A_42 = arith.constant 0 : i32
    %dma_start3A_43 = arith.constant 0 : i32
    %dma_start3A_44 = tpu.memref_slice %dma_start3A_41[%dma_start3A_42, %dma_start3A_43] : memref<26x128xf32, #tpu.memory_space<hbm>> -> memref<26x128xf32, #tpu.memory_space<hbm>>
    tpu.enqueue_indirect_dma source(%dma_start3A_44 : memref<26x128xf32, #tpu.memory_space<hbm>>) target(%dma_start3A_37 : memref<16x128xf32, #tpu.memory_space<vmem>>) offsets(%add3A_33 : vector<16xi32>) semaphore(%arg9 : memref<!tpu.dma_semaphore, #tpu.memory_space<semaphore_mem>>)
    %get3A_45 = arith.constant 32 : index
    %get3A_46 = tpu.vector_load %arg5[%get3A_45] {strides = array<i32>} : memref<512xi32, #tpu.memory_space<vmem>>, vector<16xi32>,
    %get3A_47 = vector.shape_cast %get3A_46 : vector<16xi32> to vector<16xi32>
    %add3A_48 = arith.constant 32 : i32
    %add3A_49 = arith.addi %mul3A_2, %add3A_48 : i32
    %add3A_50 = vector.broadcast %add3A_49 : i32 to vector<16xi32>
    %add3A_51 = arith.addi %add3A_50, %iota3A : vector<16xi32>
    %mul3A_52 = arith.constant 32 : i32
    %mul3A_53 = vector.broadcast %mul3A_52 : i32 to vector<16xi32>
    %mul3A_54 = arith.muli %add3A_51, %mul3A_53 : vector<16xi32>
    %add3A_55 = arith.addi %mul3A_54, %get3A_47 : vector<16xi32>
    %dma_start3A_56 = arith.constant 0 : i32
    %dma_start3A_57 = arith.constant 32 : i32
    %dma_start3A_58 = arith.constant 0 : i32
    %dma_start3A_59 = tpu.memref_slice %arg7[%dma_start3A_57, %dma_start3A_58] : memref<512x128xf32, #tpu.memory_space<vmem>> -> memref<16x128xf32, #tpu.memory_space<vmem>>
    %dma_start3A_60 = arith.constant 0 : i32
    %dma_start3A_61 = arith.constant 0 : i32
    %dma_start3A_62 = tpu.memref_slice %arg2[%dma_start3A_56, %dma_start3A_60, %dma_start3A_61] : memref<16384x26x128xf32, #tpu.memory_space<hbm>> -> memref<1x26x128xf32, #tpu.memory_space<hbm>>
    %dma_start3A_63 = tpu.memref_squeeze %dma_start3A_62 : memref<1x26x128xf32, #tpu.memory_space<hbm>> -> memref<26x128xf32, #tpu.memory_space<hbm>>
    %dma_start3A_64 = arith.constant 0 : i32
    %dma_start3A_65 = arith.constant 0 : i32
    %dma_start3A_66 = tpu.memref_slice %dma_start3A_63[%dma_start3A_64, %dma_start3A_65] : memref<26x128xf32, #tpu.memory_space<hbm>> -> memref<26x128xf32, #tpu.memory_space<hbm>>
    tpu.enqueue_indirect_dma source(%dma_start3A_66 : memref<26x128xf32, #tpu.memory_space<hbm>>) target(%dma_start3A_59 : memref<16x128xf32, #tpu.memory_space<vmem>>) offsets(%add3A_55 : vector<16xi32>) semaphore(%arg10 : memref<!tpu.dma_semaphore, #tpu.memory_space<semaphore_mem>>)
    %get3A_67 = arith.constant 48 : index
    %get3A_68 = tpu.vector_load %arg5[%get3A_67] {strides = array<i32>} : memref<512xi32, #tpu.memory_space<vmem>>, vector<16xi32>,
    %get3A_69 = vector.shape_cast %get3A_68 : vector<16xi32> to vector<16xi32>
    %add3A_70 = arith.constant 48 : i32
    %add3A_71 = arith.addi %mul3A_2, %add3A_70 : i32
    %add3A_72 = vector.broadcast %add3A_71 : i32 to vector<16xi32>
    %add3A_73 = arith.addi %add3A_72, %iota3A : vector<16xi32>
    %mul3A_74 = arith.constant 32 : i32
    %mul3A_75 = vector.broadcast %mul3A_74 : i32 to vector<16xi32>
    %mul3A_76 = arith.muli %add3A_73, %mul3A_75 : vector<16xi32>
    %add3A_77 = arith.addi %mul3A_76, %get3A_69 : vector<16xi32>
    %dma_start3A_78 = arith.constant 0 : i32
    %dma_start3A_79 = arith.constant 48 : i32
    %dma_start3A_80 = arith.constant 0 : i32
    %dma_start3A_81 = tpu.memref_slice %arg7[%dma_start3A_79, %dma_start3A_80] : memref<512x128xf32, #tpu.memory_space<vmem>> -> memref<16x128xf32, #tpu.memory_space<vmem>>
    %dma_start3A_82 = arith.constant 0 : i32
    %dma_start3A_83 = arith.constant 0 : i32
    %dma_start3A_84 = tpu.memref_slice %arg2[%dma_start3A_78, %dma_start3A_82, %dma_start3A_83] : memref<16384x26x128xf32, #tpu.memory_space<hbm>> -> memref<1x26x128xf32, #tpu.memory_space<hbm>>
    %dma_start3A_85 = tpu.memref_squeeze %dma_start3A_84 : memref<1x26x128xf32, #tpu.memory_space<hbm>> -> memref<26x128xf32, #tpu.memory_space<hbm>>
    %dma_start3A_86 = arith.constant 0 : i32
    %dma_start3A_87 = arith.constant 0 : i32
    %dma_start3A_88 = tpu.memref_slice %dma_start3A_85[%dma_start3A_86, %dma_start3A_87] : memref<26x128xf32, #tpu.memory_space<hbm>> -> memref<26x128xf32, #tpu.memory_space<hbm>>
    tpu.enqueue_indirect_dma source(%dma_start3A_88 : memref<26x128xf32, #tpu.memory_space<hbm>>) target(%dma_start3A_81 : memref<16x128xf32, #tpu.memory_space<vmem>>) offsets(%add3A_77 : vector<16xi32>) semaphore(%arg11 : memref<!tpu.dma_semaphore, #tpu.memory_space<semaphore_mem>>)
    %get3A_89 = arith.constant 64 : index
    %get3A_90 = tpu.vector_load %arg5[%get3A_89] {strides = array<i32>} : memref<512xi32, #tpu.memory_space<vmem>>, vector<16xi32>,
    %get3A_91 = vector.shape_cast %get3A_90 : vector<16xi32> to vector<16xi32>
    %add3A_92 = arith.constant 64 : i32
    %add3A_93 = arith.addi %mul3A_2, %add3A_92 : i32
    %add3A_94 = vector.broadcast %add3A_93 : i32 to vector<16xi32>
    %add3A_95 = arith.addi %add3A_94, %iota3A : vector<16xi32>
    %mul3A_96 = arith.constant 32 : i32
    %mul3A_97 = vector.broadcast %mul3A_96 : i32 to vector<16xi32>
    %mul3A_98 = arith.muli %add3A_95, %mul3A_97 : vector<16xi32>
    %add3A_99 = arith.addi %mul3A_98, %get3A_91 : vector<16xi32>
    %dma_start3A_100 = arith.constant 0 : i32
    %dma_start3A_101 = arith.constant 64 : i32
    %dma_start3A_102 = arith.constant 0 : i32
    %dma_start3A_103 = tpu.memref_slice %arg7[%dma_start3A_101, %dma_start3A_102] : memref<512x128xf32, #tpu.memory_space<vmem>> -> memref<16x128xf32, #tpu.memory_space<vmem>>
    %dma_start3A_104 = arith.constant 0 : i32
    %dma_start3A_105 = arith.constant 0 : i32
    %dma_start3A_106 = tpu.memref_slice %arg2[%dma_start3A_100, %dma_start3A_104, %dma_start3A_105] : memref<16384x26x128xf32, #tpu.memory_space<hbm>> -> memref<1x26x128xf32, #tpu.memory_space<hbm>>
    %dma_start3A_107 = tpu.memref_squeeze %dma_start3A_106 : memref<1x26x128xf32, #tpu.memory_space<hbm>> -> memref<26x128xf32, #tpu.memory_space<hbm>>
    %dma_start3A_108 = arith.constant 0 : i32
    %dma_start3A_109 = arith.constant 0 : i32
    %dma_start3A_110 = tpu.memref_slice %dma_start3A_107[%dma_start3A_108, %dma_start3A_109] : memref<26x128xf32, #tpu.memory_space<hbm>> -> memref<26x128xf32, #tpu.memory_space<hbm>>
    tpu.enqueue_indirect_dma source(%dma_start3A_110 : memref<26x128xf32, #tpu.memory_space<hbm>>) target(%dma_start3A_103 : memref<16x128xf32, #tpu.memory_space<vmem>>) offsets(%add3A_99 : vector<16xi32>) semaphore(%arg8 : memref<!tpu.dma_semaphore, #tpu.memory_space<semaphore_mem>>)
    %get3A_111 = arith.constant 80 : index
    %get3A_112 = tpu.vector_load %arg5[%get3A_111] {strides = array<i32>} : memref<512xi32, #tpu.memory_space<vmem>>, vector<16xi32>,
    %get3A_113 = vector.shape_cast %get3A_112 : vector<16xi32> to vector<16xi32>
    %add3A_114 = arith.constant 80 : i32
    %add3A_115 = arith.addi %mul3A_2, %add3A_114 : i32
    %add3A_116 = vector.broadcast %add3A_115 : i32 to vector<16xi32>
    %add3A_117 = arith.addi %add3A_116, %iota3A : vector<16xi32>
    %mul3A_118 = arith.constant 32 : i32
    %mul3A_119 = vector.broadcast %mul3A_118 : i32 to vector<16xi32>
    %mul3A_120 = arith.muli %add3A_117, %mul3A_119 : vector<16xi32>
    %add3A_121 = arith.addi %mul3A_120, %get3A_113 : vector<16xi32>
    %dma_start3A_122 = arith.constant 0 : i32
    %dma_start3A_123 = arith.constant 80 : i32
    %dma_start3A_124 = arith.constant 0 : i32
    %dma_start3A_125 = tpu.memref_slice %arg7[%dma_start3A_123, %dma_start3A_124] : memref<512x128xf32, #tpu.memory_space<vmem>> -> memref<16x128xf32, #tpu.memory_space<vmem>>
    %dma_start3A_126 = arith.constant 0 : i32
    %dma_start3A_127 = arith.constant 0 : i32
    %dma_start3A_128 = tpu.memref_slice %arg2[%dma_start3A_122, %dma_start3A_126, %dma_start3A_127] : memref<16384x26x128xf32, #tpu.memory_space<hbm>> -> memref<1x26x128xf32, #tpu.memory_space<hbm>>
    %dma_start3A_129 = tpu.memref_squeeze %dma_start3A_128 : memref<1x26x128xf32, #tpu.memory_space<hbm>> -> memref<26x128xf32, #tpu.memory_space<hbm>>
    %dma_start3A_130 = arith.constant 0 : i32
    %dma_start3A_131 = arith.constant 0 : i32
    %dma_start3A_132 = tpu.memref_slice %dma_start3A_129[%dma_start3A_130, %dma_start3A_131] : memref<26x128xf32, #tpu.memory_space<hbm>> -> memref<26x128xf32, #tpu.memory_space<hbm>>
    tpu.enqueue_indirect_dma source(%dma_start3A_132 : memref<26x128xf32, #tpu.memory_space<hbm>>) target(%dma_start3A_125 : memref<16x128xf32, #tpu.memory_space<vmem>>) offsets(%add3A_121 : vector<16xi32>) semaphore(%arg9 : memref<!tpu.dma_semaphore, #tpu.memory_space<semaphore_mem>>)
    %get3A_133 = arith.constant 96 : index
    %get3A_134 = tpu.vector_load %arg5[%get3A_133] {strides = array<i32>} : memref<512xi32, #tpu.memory_space<vmem>>, vector<16xi32>,
    %get3A_135 = vector.shape_cast %get3A_134 : vector<16xi32> to vector<16xi32>
    %add3A_136 = arith.constant 96 : i32
    %add3A_137 = arith.addi %mul3A_2, %add3A_136 : i32
    %add3A_138 = vector.broadcast %add3A_137 : i32 to vector<16xi32>
    %add3A_139 = arith.addi %add3A_138, %iota3A : vector<16xi32>
    %mul3A_140 = arith.constant 32 : i32
    %mul3A_141 = vector.broadcast %mul3A_140 : i32 to vector<16xi32>
    %mul3A_142 = arith.muli %add3A_139, %mul3A_141 : vector<16xi32>
    %add3A_143 = arith.addi %mul3A_142, %get3A_135 : vector<16xi32>
    %dma_start3A_144 = arith.constant 0 : i32
    %dma_start3A_145 = arith.constant 96 : i32
    %dma_start3A_146 = arith.constant 0 : i32
    %dma_start3A_147 = tpu.memref_slice %arg7[%dma_start3A_145, %dma_start3A_146] : memref<512x128xf32, #tpu.memory_space<vmem>> -> memref<16x128xf32, #tpu.memory_space<vmem>>
    %dma_start3A_148 = arith.constant 0 : i32
    %dma_start3A_149 = arith.constant 0 : i32
    %dma_start3A_150 = tpu.memref_slice %arg2[%dma_start3A_144, %dma_start3A_148, %dma_start3A_149] : memref<16384x26x128xf32, #tpu.memory_space<hbm>> -> memref<1x26x128xf32, #tpu.memory_space<hbm>>
    %dma_start3A_151 = tpu.memref_squeeze %dma_start3A_150 : memref<1x26x128xf32, #tpu.memory_space<hbm>> -> memref<26x128xf32, #tpu.memory_space<hbm>>
    %dma_start3A_152 = arith.constant 0 : i32
    %dma_start3A_153 = arith.constant 0 : i32
    %dma_start3A_154 = tpu.memref_slice %dma_start3A_151[%dma_start3A_152, %dma_start3A_153] : memref<26x128xf32, #tpu.memory_space<hbm>> -> memref<26x128xf32, #tpu.memory_space<hbm>>
    tpu.enqueue_indirect_dma source(%dma_start3A_154 : memref<26x128xf32, #tpu.memory_space<hbm>>) target(%dma_start3A_147 : memref<16x128xf32, #tpu.memory_space<vmem>>) offsets(%add3A_143 : vector<16xi32>) semaphore(%arg10 : memref<!tpu.dma_semaphore, #tpu.memory_space<semaphore_mem>>)
    %get3A_155 = arith.constant 112 : index
    %get3A_156 = tpu.vector_load %arg5[%get3A_155] {strides = array<i32>} : memref<512xi32, #tpu.memory_space<vmem>>, vector<16xi32>,
    %get3A_157 = vector.shape_cast %get3A_156 : vector<16xi32> to vector<16xi32>
    %add3A_158 = arith.constant 112 : i32
    %add3A_159 = arith.addi %mul3A_2, %add3A_158 : i32
    %add3A_160 = vector.broadcast %add3A_159 : i32 to vector<16xi32>
    %add3A_161 = arith.addi %add3A_160, %iota3A : vector<16xi32>
    %mul3A_162 = arith.constant 32 : i32
    %mul3A_163 = vector.broadcast %mul3A_162 : i32 to vector<16xi32>
    %mul3A_164 = arith.muli %add3A_161, %mul3A_163 : vector<16xi32>
    %add3A_165 = arith.addi %mul3A_164, %get3A_157 : vector<16xi32>
    %dma_start3A_166 = arith.constant 0 : i32
    %dma_start3A_167 = arith.constant 112 : i32
    %dma_start3A_168 = arith.constant 0 : i32
    %dma_start3A_169 = tpu.memref_slice %arg7[%dma_start3A_167, %dma_start3A_168] : memref<512x128xf32, #tpu.memory_space<vmem>> -> memref<16x128xf32, #tpu.memory_space<vmem>>
    %dma_start3A_170 = arith.constant 0 : i32
    %dma_start3A_171 = arith.constant 0 : i32
    %dma_start3A_172 = tpu.memref_slice %arg2[%dma_start3A_166, %dma_start3A_170, %dma_start3A_171] : memref<16384x26x128xf32, #tpu.memory_space<hbm>> -> memref<1x26x128xf32, #tpu.memory_space<hbm>>
    %dma_start3A_173 = tpu.memref_squeeze %dma_start3A_172 : memref<1x26x128xf32, #tpu.memory_space<hbm>> -> memref<26x128xf32, #tpu.memory_space<hbm>>
    %dma_start3A_174 = arith.constant 0 : i32
    %dma_start3A_175 = arith.constant 0 : i32
    %dma_start3A_176 = tpu.memref_slice %dma_start3A_173[%dma_start3A_174, %dma_start3A_175] : memref<26x128xf32, #tpu.memory_space<hbm>> -> memref<26x128xf32, #tpu.memory_space<hbm>>
    tpu.enqueue_indirect_dma source(%dma_start3A_176 : memref<26x128xf32, #tpu.memory_space<hbm>>) target(%dma_start3A_169 : memref<16x128xf32, #tpu.memory_space<vmem>>) offsets(%add3A_165 : vector<16xi32>) semaphore(%arg11 : memref<!tpu.dma_semaphore, #tpu.memory_space<semaphore_mem>>)
    %get3A_177 = arith.constant 128 : index
    %get3A_178 = tpu.vector_load %arg5[%get3A_177] {strides = array<i32>} : memref<512xi32, #tpu.memory_space<vmem>>, vector<16xi32>,
    %get3A_179 = vector.shape_cast %get3A_178 : vector<16xi32> to vector<16xi32>
    %add3A_180 = arith.constant 128 : i32
    %add3A_181 = arith.addi %mul3A_2, %add3A_180 : i32
    %add3A_182 = vector.broadcast %add3A_181 : i32 to vector<16xi32>
    %add3A_183 = arith.addi %add3A_182, %iota3A : vector<16xi32>
    %mul3A_184 = arith.constant 32 : i32
    %mul3A_185 = vector.broadcast %mul3A_184 : i32 to vector<16xi32>
    %mul3A_186 = arith.muli %add3A_183, %mul3A_185 : vector<16xi32>
    %add3A_187 = arith.addi %mul3A_186, %get3A_179 : vector<16xi32>
    %dma_start3A_188 = arith.constant 0 : i32
    %dma_start3A_189 = arith.constant 128 : i32
    %dma_start3A_190 = arith.constant 0 : i32
    %dma_start3A_191 = tpu.memref_slice %arg7[%dma_start3A_189, %dma_start3A_190] : memref<512x128xf32, #tpu.memory_space<vmem>> -> memref<16x128xf32, #tpu.memory_space<vmem>>
    %dma_start3A_192 = arith.constant 0 : i32
    %dma_start3A_193 = arith.constant 0 : i32
    %dma_start3A_194 = tpu.memref_slice %arg2[%dma_start3A_188, %dma_start3A_192, %dma_start3A_193] : memref<16384x26x128xf32, #tpu.memory_space<hbm>> -> memref<1x26x128xf32, #tpu.memory_space<hbm>>
    %dma_start3A_195 = tpu.memref_squeeze %dma_start3A_194 : memref<1x26x128xf32, #tpu.memory_space<hbm>> -> memref<26x128xf32, #tpu.memory_space<hbm>>
    %dma_start3A_196 = arith.constant 0 : i32
    %dma_start3A_197 = arith.constant 0 : i32
    %dma_start3A_198 = tpu.memref_slice %dma_start3A_195[%dma_start3A_196, %dma_start3A_197] : memref<26x128xf32, #tpu.memory_space<hbm>> -> memref<26x128xf32, #tpu.memory_space<hbm>>
    tpu.enqueue_indirect_dma source(%dma_start3A_198 : memref<26x128xf32, #tpu.memory_space<hbm>>) target(%dma_start3A_191 : memref<16x128xf32, #tpu.memory_space<vmem>>) offsets(%add3A_187 : vector<16xi32>) semaphore(%arg8 : memref<!tpu.dma_semaphore, #tpu.memory_space<semaphore_mem>>)
    %get3A_199 = arith.constant 144 : index
    %get3A_200 = tpu.vector_load %arg5[%get3A_199] {strides = array<i32>} : memref<512xi32, #tpu.memory_space<vmem>>, vector<16xi32>,
    %get3A_201 = vector.shape_cast %get3A_200 : vector<16xi32> to vector<16xi32>
    %add3A_202 = arith.constant 144 : i32
    %add3A_203 = arith.addi %mul3A_2, %add3A_202 : i32
    %add3A_204 = vector.broadcast %add3A_203 : i32 to vector<16xi32>
    %add3A_205 = arith.addi %add3A_204, %iota3A : vector<16xi32>
    %mul3A_206 = arith.constant 32 : i32
    %mul3A_207 = vector.broadcast %mul3A_206 : i32 to vector<16xi32>
    %mul3A_208 = arith.muli %add3A_205, %mul3A_207 : vector<16xi32>
    %add3A_209 = arith.addi %mul3A_208, %get3A_201 : vector<16xi32>
    %dma_start3A_210 = arith.constant 0 : i32
    %dma_start3A_211 = arith.constant 144 : i32
    %dma_start3A_212 = arith.constant 0 : i32
    %dma_start3A_213 = tpu.memref_slice %arg7[%dma_start3A_211, %dma_start3A_212] : memref<512x128xf32, #tpu.memory_space<vmem>> -> memref<16x128xf32, #tpu.memory_space<vmem>>
    %dma_start3A_214 = arith.constant 0 : i32
    %dma_start3A_215 = arith.constant 0 : i32
    %dma_start3A_216 = tpu.memref_slice %arg2[%dma_start3A_210, %dma_start3A_214, %dma_start3A_215] : memref<16384x26x128xf32, #tpu.memory_space<hbm>> -> memref<1x26x128xf32, #tpu.memory_space<hbm>>
    %dma_start3A_217 = tpu.memref_squeeze %dma_start3A_216 : memref<1x26x128xf32, #tpu.memory_space<hbm>> -> memref<26x128xf32, #tpu.memory_space<hbm>>
    %dma_start3A_218 = arith.constant 0 : i32
    %dma_start3A_219 = arith.constant 0 : i32
    %dma_start3A_220 = tpu.memref_slice %dma_start3A_217[%dma_start3A_218, %dma_start3A_219] : memref<26x128xf32, #tpu.memory_space<hbm>> -> memref<26x128xf32, #tpu.memory_space<hbm>>
    tpu.enqueue_indirect_dma source(%dma_start3A_220 : memref<26x128xf32, #tpu.memory_space<hbm>>) target(%dma_start3A_213 : memref<16x128xf32, #tpu.memory_space<vmem>>) offsets(%add3A_209 : vector<16xi32>) semaphore(%arg9 : memref<!tpu.dma_semaphore, #tpu.memory_space<semaphore_mem>>)
    %get3A_221 = arith.constant 160 : index
    %get3A_222 = tpu.vector_load %arg5[%get3A_221] {strides = array<i32>} : memref<512xi32, #tpu.memory_space<vmem>>, vector<16xi32>,
    %get3A_223 = vector.shape_cast %get3A_222 : vector<16xi32> to vector<16xi32>
    %add3A_224 = arith.constant 160 : i32
    %add3A_225 = arith.addi %mul3A_2, %add3A_224 : i32
    %add3A_226 = vector.broadcast %add3A_225 : i32 to vector<16xi32>
    %add3A_227 = arith.addi %add3A_226, %iota3A : vector<16xi32>
    %mul3A_228 = arith.constant 32 : i32
    %mul3A_229 = vector.broadcast %mul3A_228 : i32 to vector<16xi32>
    %mul3A_230 = arith.muli %add3A_227, %mul3A_229 : vector<16xi32>
    %add3A_231 = arith.addi %mul3A_230, %get3A_223 : vector<16xi32>
    %dma_start3A_232 = arith.constant 0 : i32
    %dma_start3A_233 = arith.constant 160 : i32
    %dma_start3A_234 = arith.constant 0 : i32
    %dma_start3A_235 = tpu.memref_slice %arg7[%dma_start3A_233, %dma_start3A_234] : memref<512x128xf32, #tpu.memory_space<vmem>> -> memref<16x128xf32, #tpu.memory_space<vmem>>
    %dma_start3A_236 = arith.constant 0 : i32
    %dma_start3A_237 = arith.constant 0 : i32
    %dma_start3A_238 = tpu.memref_slice %arg2[%dma_start3A_232, %dma_start3A_236, %dma_start3A_237] : memref<16384x26x128xf32, #tpu.memory_space<hbm>> -> memref<1x26x128xf32, #tpu.memory_space<hbm>>
    %dma_start3A_239 = tpu.memref_squeeze %dma_start3A_238 : memref<1x26x128xf32, #tpu.memory_space<hbm>> -> memref<26x128xf32, #tpu.memory_space<hbm>>
    %dma_start3A_240 = arith.constant 0 : i32
    %dma_start3A_241 = arith.constant 0 : i32
    %dma_start3A_242 = tpu.memref_slice %dma_start3A_239[%dma_start3A_240, %dma_start3A_241] : memref<26x128xf32, #tpu.memory_space<hbm>> -> memref<26x128xf32, #tpu.memory_space<hbm>>
    tpu.enqueue_indirect_dma source(%dma_start3A_242 : memref<26x128xf32, #tpu.memory_space<hbm>>) target(%dma_start3A_235 : memref<16x128xf32, #tpu.memory_space<vmem>>) offsets(%add3A_231 : vector<16xi32>) semaphore(%arg10 : memref<!tpu.dma_semaphore, #tpu.memory_space<semaphore_mem>>)
    %get3A_243 = arith.constant 176 : index
    %get3A_244 = tpu.vector_load %arg5[%get3A_243] {strides = array<i32>} : memref<512xi32, #tpu.memory_space<vmem>>, vector<16xi32>,
    %get3A_245 = vector.shape_cast %get3A_244 : vector<16xi32> to vector<16xi32>
    %add3A_246 = arith.constant 176 : i32
    %add3A_247 = arith.addi %mul3A_2, %add3A_246 : i32
    %add3A_248 = vector.broadcast %add3A_247 : i32 to vector<16xi32>
    %add3A_249 = arith.addi %add3A_248, %iota3A : vector<16xi32>
    %mul3A_250 = arith.constant 32 : i32
    %mul3A_251 = vector.broadcast %mul3A_250 : i32 to vector<16xi32>
    %mul3A_252 = arith.muli %add3A_249, %mul3A_251 : vector<16xi32>
    %add3A_253 = arith.addi %mul3A_252, %get3A_245 : vector<16xi32>
    %dma_start3A_254 = arith.constant 0 : i32
    %dma_start3A_255 = arith.constant 176 : i32
    %dma_start3A_256 = arith.constant 0 : i32
    %dma_start3A_257 = tpu.memref_slice %arg7[%dma_start3A_255, %dma_start3A_256] : memref<512x128xf32, #tpu.memory_space<vmem>> -> memref<16x128xf32, #tpu.memory_space<vmem>>
    %dma_start3A_258 = arith.constant 0 : i32
    %dma_start3A_259 = arith.constant 0 : i32
    %dma_start3A_260 = tpu.memref_slice %arg2[%dma_start3A_254, %dma_start3A_258, %dma_start3A_259] : memref<16384x26x128xf32, #tpu.memory_space<hbm>> -> memref<1x26x128xf32, #tpu.memory_space<hbm>>
    %dma_start3A_261 = tpu.memref_squeeze %dma_start3A_260 : memref<1x26x128xf32, #tpu.memory_space<hbm>> -> memref<26x128xf32, #tpu.memory_space<hbm>>
    %dma_start3A_262 = arith.constant 0 : i32
    %dma_start3A_263 = arith.constant 0 : i32
    %dma_start3A_264 = tpu.memref_slice %dma_start3A_261[%dma_start3A_262, %dma_start3A_263] : memref<26x128xf32, #tpu.memory_space<hbm>> -> memref<26x128xf32, #tpu.memory_space<hbm>>
    tpu.enqueue_indirect_dma source(%dma_start3A_264 : memref<26x128xf32, #tpu.memory_space<hbm>>) target(%dma_start3A_257 : memref<16x128xf32, #tpu.memory_space<vmem>>) offsets(%add3A_253 : vector<16xi32>) semaphore(%arg11 : memref<!tpu.dma_semaphore, #tpu.memory_space<semaphore_mem>>)
    %get3A_265 = arith.constant 192 : index
    %get3A_266 = tpu.vector_load %arg5[%get3A_265] {strides = array<i32>} : memref<512xi32, #tpu.memory_space<vmem>>, vector<16xi32>,
    %get3A_267 = vector.shape_cast %get3A_266 : vector<16xi32> to vector<16xi32>
    %add3A_268 = arith.constant 192 : i32
    %add3A_269 = arith.addi %mul3A_2, %add3A_268 : i32
    %add3A_270 = vector.broadcast %add3A_269 : i32 to vector<16xi32>
    %add3A_271 = arith.addi %add3A_270, %iota3A : vector<16xi32>
    %mul3A_272 = arith.constant 32 : i32
    %mul3A_273 = vector.broadcast %mul3A_272 : i32 to vector<16xi32>
    %mul3A_274 = arith.muli %add3A_271, %mul3A_273 : vector<16xi32>
    %add3A_275 = arith.addi %mul3A_274, %get3A_267 : vector<16xi32>
    %dma_start3A_276 = arith.constant 0 : i32
    %dma_start3A_277 = arith.constant 192 : i32
    %dma_start3A_278 = arith.constant 0 : i32
    %dma_start3A_279 = tpu.memref_slice %arg7[%dma_start3A_277, %dma_start3A_278] : memref<512x128xf32, #tpu.memory_space<vmem>> -> memref<16x128xf32, #tpu.memory_space<vmem>>
    %dma_start3A_280 = arith.constant 0 : i32
    %dma_start3A_281 = arith.constant 0 : i32
    %dma_start3A_282 = tpu.memref_slice %arg2[%dma_start3A_276, %dma_start3A_280, %dma_start3A_281] : memref<16384x26x128xf32, #tpu.memory_space<hbm>> -> memref<1x26x128xf32, #tpu.memory_space<hbm>>
    %dma_start3A_283 = tpu.memref_squeeze %dma_start3A_282 : memref<1x26x128xf32, #tpu.memory_space<hbm>> -> memref<26x128xf32, #tpu.memory_space<hbm>>
    %dma_start3A_284 = arith.constant 0 : i32
    %dma_start3A_285 = arith.constant 0 : i32
    %dma_start3A_286 = tpu.memref_slice %dma_start3A_283[%dma_start3A_284, %dma_start3A_285] : memref<26x128xf32, #tpu.memory_space<hbm>> -> memref<26x128xf32, #tpu.memory_space<hbm>>
    tpu.enqueue_indirect_dma source(%dma_start3A_286 : memref<26x128xf32, #tpu.memory_space<hbm>>) target(%dma_start3A_279 : memref<16x128xf32, #tpu.memory_space<vmem>>) offsets(%add3A_275 : vector<16xi32>) semaphore(%arg8 : memref<!tpu.dma_semaphore, #tpu.memory_space<semaphore_mem>>)
    %get3A_287 = arith.constant 208 : index
    %get3A_288 = tpu.vector_load %arg5[%get3A_287] {strides = array<i32>} : memref<512xi32, #tpu.memory_space<vmem>>, vector<16xi32>,
    %get3A_289 = vector.shape_cast %get3A_288 : vector<16xi32> to vector<16xi32>
    %add3A_290 = arith.constant 208 : i32
    %add3A_291 = arith.addi %mul3A_2, %add3A_290 : i32
    %add3A_292 = vector.broadcast %add3A_291 : i32 to vector<16xi32>
    %add3A_293 = arith.addi %add3A_292, %iota3A : vector<16xi32>
    %mul3A_294 = arith.constant 32 : i32
    %mul3A_295 = vector.broadcast %mul3A_294 : i32 to vector<16xi32>
    %mul3A_296 = arith.muli %add3A_293, %mul3A_295 : vector<16xi32>
    %add3A_297 = arith.addi %mul3A_296, %get3A_289 : vector<16xi32>
    %dma_start3A_298 = arith.constant 0 : i32
    %dma_start3A_299 = arith.constant 208 : i32
    %dma_start3A_300 = arith.constant 0 : i32
    %dma_start3A_301 = tpu.memref_slice %arg7[%dma_start3A_299, %dma_start3A_300] : memref<512x128xf32, #tpu.memory_space<vmem>> -> memref<16x128xf32, #tpu.memory_space<vmem>>
    %dma_start3A_302 = arith.constant 0 : i32
    %dma_start3A_303 = arith.constant 0 : i32
    %dma_start3A_304 = tpu.memref_slice %arg2[%dma_start3A_298, %dma_start3A_302, %dma_start3A_303] : memref<16384x26x128xf32, #tpu.memory_space<hbm>> -> memref<1x26x128xf32, #tpu.memory_space<hbm>>
    %dma_start3A_305 = tpu.memref_squeeze %dma_start3A_304 : memref<1x26x128xf32, #tpu.memory_space<hbm>> -> memref<26x128xf32, #tpu.memory_space<hbm>>
    %dma_start3A_306 = arith.constant 0 : i32
    %dma_start3A_307 = arith.constant 0 : i32
    %dma_start3A_308 = tpu.memref_slice %dma_start3A_305[%dma_start3A_306, %dma_start3A_307] : memref<26x128xf32, #tpu.memory_space<hbm>> -> memref<26x128xf32, #tpu.memory_space<hbm>>
    tpu.enqueue_indirect_dma source(%dma_start3A_308 : memref<26x128xf32, #tpu.memory_space<hbm>>) target(%dma_start3A_301 : memref<16x128xf32, #tpu.memory_space<vmem>>) offsets(%add3A_297 : vector<16xi32>) semaphore(%arg9 : memref<!tpu.dma_semaphore, #tpu.memory_space<semaphore_mem>>)
    %get3A_309 = arith.constant 224 : index
    %get3A_310 = tpu.vector_load %arg5[%get3A_309] {strides = array<i32>} : memref<512xi32, #tpu.memory_space<vmem>>, vector<16xi32>,
    %get3A_311 = vector.shape_cast %get3A_310 : vector<16xi32> to vector<16xi32>
    %add3A_312 = arith.constant 224 : i32
    %add3A_313 = arith.addi %mul3A_2, %add3A_312 : i32
    %add3A_314 = vector.broadcast %add3A_313 : i32 to vector<16xi32>
    %add3A_315 = arith.addi %add3A_314, %iota3A : vector<16xi32>
    %mul3A_316 = arith.constant 32 : i32
    %mul3A_317 = vector.broadcast %mul3A_316 : i32 to vector<16xi32>
    %mul3A_318 = arith.muli %add3A_315, %mul3A_317 : vector<16xi32>
    %add3A_319 = arith.addi %mul3A_318, %get3A_311 : vector<16xi32>
    %dma_start3A_320 = arith.constant 0 : i32
    %dma_start3A_321 = arith.constant 224 : i32
    %dma_start3A_322 = arith.constant 0 : i32
    %dma_start3A_323 = tpu.memref_slice %arg7[%dma_start3A_321, %dma_start3A_322] : memref<512x128xf32, #tpu.memory_space<vmem>> -> memref<16x128xf32, #tpu.memory_space<vmem>>
    %dma_start3A_324 = arith.constant 0 : i32
    %dma_start3A_325 = arith.constant 0 : i32
    %dma_start3A_326 = tpu.memref_slice %arg2[%dma_start3A_320, %dma_start3A_324, %dma_start3A_325] : memref<16384x26x128xf32, #tpu.memory_space<hbm>> -> memref<1x26x128xf32, #tpu.memory_space<hbm>>
    %dma_start3A_327 = tpu.memref_squeeze %dma_start3A_326 : memref<1x26x128xf32, #tpu.memory_space<hbm>> -> memref<26x128xf32, #tpu.memory_space<hbm>>
    %dma_start3A_328 = arith.constant 0 : i32
    %dma_start3A_329 = arith.constant 0 : i32
    %dma_start3A_330 = tpu.memref_slice %dma_start3A_327[%dma_start3A_328, %dma_start3A_329] : memref<26x128xf32, #tpu.memory_space<hbm>> -> memref<26x128xf32, #tpu.memory_space<hbm>>
    tpu.enqueue_indirect_dma source(%dma_start3A_330 : memref<26x128xf32, #tpu.memory_space<hbm>>) target(%dma_start3A_323 : memref<16x128xf32, #tpu.memory_space<vmem>>) offsets(%add3A_319 : vector<16xi32>) semaphore(%arg10 : memref<!tpu.dma_semaphore, #tpu.memory_space<semaphore_mem>>)
    %get3A_331 = arith.constant 240 : index
    %get3A_332 = tpu.vector_load %arg5[%get3A_331] {strides = array<i32>} : memref<512xi32, #tpu.memory_space<vmem>>, vector<16xi32>,
    %get3A_333 = vector.shape_cast %get3A_332 : vector<16xi32> to vector<16xi32>
    %add3A_334 = arith.constant 240 : i32
    %add3A_335 = arith.addi %mul3A_2, %add3A_334 : i32
    %add3A_336 = vector.broadcast %add3A_335 : i32 to vector<16xi32>
    %add3A_337 = arith.addi %add3A_336, %iota3A : vector<16xi32>
    %mul3A_338 = arith.constant 32 : i32
    %mul3A_339 = vector.broadcast %mul3A_338 : i32 to vector<16xi32>
    %mul3A_340 = arith.muli %add3A_337, %mul3A_339 : vector<16xi32>
    %add3A_341 = arith.addi %mul3A_340, %get3A_333 : vector<16xi32>
    %dma_start3A_342 = arith.constant 0 : i32
    %dma_start3A_343 = arith.constant 240 : i32
    %dma_start3A_344 = arith.constant 0 : i32
    %dma_start3A_345 = tpu.memref_slice %arg7[%dma_start3A_343, %dma_start3A_344] : memref<512x128xf32, #tpu.memory_space<vmem>> -> memref<16x128xf32, #tpu.memory_space<vmem>>
    %dma_start3A_346 = arith.constant 0 : i32
    %dma_start3A_347 = arith.constant 0 : i32
    %dma_start3A_348 = tpu.memref_slice %arg2[%dma_start3A_342, %dma_start3A_346, %dma_start3A_347] : memref<16384x26x128xf32, #tpu.memory_space<hbm>> -> memref<1x26x128xf32, #tpu.memory_space<hbm>>
    %dma_start3A_349 = tpu.memref_squeeze %dma_start3A_348 : memref<1x26x128xf32, #tpu.memory_space<hbm>> -> memref<26x128xf32, #tpu.memory_space<hbm>>
    %dma_start3A_350 = arith.constant 0 : i32
    %dma_start3A_351 = arith.constant 0 : i32
    %dma_start3A_352 = tpu.memref_slice %dma_start3A_349[%dma_start3A_350, %dma_start3A_351] : memref<26x128xf32, #tpu.memory_space<hbm>> -> memref<26x128xf32, #tpu.memory_space<hbm>>
    tpu.enqueue_indirect_dma source(%dma_start3A_352 : memref<26x128xf32, #tpu.memory_space<hbm>>) target(%dma_start3A_345 : memref<16x128xf32, #tpu.memory_space<vmem>>) offsets(%add3A_341 : vector<16xi32>) semaphore(%arg11 : memref<!tpu.dma_semaphore, #tpu.memory_space<semaphore_mem>>)
    %get3A_353 = arith.constant 256 : index
    %get3A_354 = tpu.vector_load %arg5[%get3A_353] {strides = array<i32>} : memref<512xi32, #tpu.memory_space<vmem>>, vector<16xi32>,
    %get3A_355 = vector.shape_cast %get3A_354 : vector<16xi32> to vector<16xi32>
    %add3A_356 = arith.constant 256 : i32
    %add3A_357 = arith.addi %mul3A_2, %add3A_356 : i32
    %add3A_358 = vector.broadcast %add3A_357 : i32 to vector<16xi32>
    %add3A_359 = arith.addi %add3A_358, %iota3A : vector<16xi32>
    %mul3A_360 = arith.constant 32 : i32
    %mul3A_361 = vector.broadcast %mul3A_360 : i32 to vector<16xi32>
    %mul3A_362 = arith.muli %add3A_359, %mul3A_361 : vector<16xi32>
    %add3A_363 = arith.addi %mul3A_362, %get3A_355 : vector<16xi32>
    %dma_start3A_364 = arith.constant 0 : i32
    %dma_start3A_365 = arith.constant 256 : i32
    %dma_start3A_366 = arith.constant 0 : i32
    %dma_start3A_367 = tpu.memref_slice %arg7[%dma_start3A_365, %dma_start3A_366] : memref<512x128xf32, #tpu.memory_space<vmem>> -> memref<16x128xf32, #tpu.memory_space<vmem>>
    %dma_start3A_368 = arith.constant 0 : i32
    %dma_start3A_369 = arith.constant 0 : i32
    %dma_start3A_370 = tpu.memref_slice %arg2[%dma_start3A_364, %dma_start3A_368, %dma_start3A_369] : memref<16384x26x128xf32, #tpu.memory_space<hbm>> -> memref<1x26x128xf32, #tpu.memory_space<hbm>>
    %dma_start3A_371 = tpu.memref_squeeze %dma_start3A_370 : memref<1x26x128xf32, #tpu.memory_space<hbm>> -> memref<26x128xf32, #tpu.memory_space<hbm>>
    %dma_start3A_372 = arith.constant 0 : i32
    %dma_start3A_373 = arith.constant 0 : i32
    %dma_start3A_374 = tpu.memref_slice %dma_start3A_371[%dma_start3A_372, %dma_start3A_373] : memref<26x128xf32, #tpu.memory_space<hbm>> -> memref<26x128xf32, #tpu.memory_space<hbm>>
    tpu.enqueue_indirect_dma source(%dma_start3A_374 : memref<26x128xf32, #tpu.memory_space<hbm>>) target(%dma_start3A_367 : memref<16x128xf32, #tpu.memory_space<vmem>>) offsets(%add3A_363 : vector<16xi32>) semaphore(%arg8 : memref<!tpu.dma_semaphore, #tpu.memory_space<semaphore_mem>>)
    %get3A_375 = arith.constant 272 : index
    %get3A_376 = tpu.vector_load %arg5[%get3A_375] {strides = array<i32>} : memref<512xi32, #tpu.memory_space<vmem>>, vector<16xi32>,
    %get3A_377 = vector.shape_cast %get3A_376 : vector<16xi32> to vector<16xi32>
    %add3A_378 = arith.constant 272 : i32
    %add3A_379 = arith.addi %mul3A_2, %add3A_378 : i32
    %add3A_380 = vector.broadcast %add3A_379 : i32 to vector<16xi32>
    %add3A_381 = arith.addi %add3A_380, %iota3A : vector<16xi32>
    %mul3A_382 = arith.constant 32 : i32
    %mul3A_383 = vector.broadcast %mul3A_382 : i32 to vector<16xi32>
    %mul3A_384 = arith.muli %add3A_381, %mul3A_383 : vector<16xi32>
    %add3A_385 = arith.addi %mul3A_384, %get3A_377 : vector<16xi32>
    %dma_start3A_386 = arith.constant 0 : i32
    %dma_start3A_387 = arith.constant 272 : i32
    %dma_start3A_388 = arith.constant 0 : i32
    %dma_start3A_389 = tpu.memref_slice %arg7[%dma_start3A_387, %dma_start3A_388] : memref<512x128xf32, #tpu.memory_space<vmem>> -> memref<16x128xf32, #tpu.memory_space<vmem>>
    %dma_start3A_390 = arith.constant 0 : i32
    %dma_start3A_391 = arith.constant 0 : i32
    %dma_start3A_392 = tpu.memref_slice %arg2[%dma_start3A_386, %dma_start3A_390, %dma_start3A_391] : memref<16384x26x128xf32, #tpu.memory_space<hbm>> -> memref<1x26x128xf32, #tpu.memory_space<hbm>>
    %dma_start3A_393 = tpu.memref_squeeze %dma_start3A_392 : memref<1x26x128xf32, #tpu.memory_space<hbm>> -> memref<26x128xf32, #tpu.memory_space<hbm>>
    %dma_start3A_394 = arith.constant 0 : i32
    %dma_start3A_395 = arith.constant 0 : i32
    %dma_start3A_396 = tpu.memref_slice %dma_start3A_393[%dma_start3A_394, %dma_start3A_395] : memref<26x128xf32, #tpu.memory_space<hbm>> -> memref<26x128xf32, #tpu.memory_space<hbm>>
    tpu.enqueue_indirect_dma source(%dma_start3A_396 : memref<26x128xf32, #tpu.memory_space<hbm>>) target(%dma_start3A_389 : memref<16x128xf32, #tpu.memory_space<vmem>>) offsets(%add3A_385 : vector<16xi32>) semaphore(%arg9 : memref<!tpu.dma_semaphore, #tpu.memory_space<semaphore_mem>>)
    %get3A_397 = arith.constant 288 : index
    %get3A_398 = tpu.vector_load %arg5[%get3A_397] {strides = array<i32>} : memref<512xi32, #tpu.memory_space<vmem>>, vector<16xi32>,
    %get3A_399 = vector.shape_cast %get3A_398 : vector<16xi32> to vector<16xi32>
    %add3A_400 = arith.constant 288 : i32
    %add3A_401 = arith.addi %mul3A_2, %add3A_400 : i32
    %add3A_402 = vector.broadcast %add3A_401 : i32 to vector<16xi32>
    %add3A_403 = arith.addi %add3A_402, %iota3A : vector<16xi32>
    %mul3A_404 = arith.constant 32 : i32
    %mul3A_405 = vector.broadcast %mul3A_404 : i32 to vector<16xi32>
    %mul3A_406 = arith.muli %add3A_403, %mul3A_405 : vector<16xi32>
    %add3A_407 = arith.addi %mul3A_406, %get3A_399 : vector<16xi32>
    %dma_start3A_408 = arith.constant 0 : i32
    %dma_start3A_409 = arith.constant 288 : i32
    %dma_start3A_410 = arith.constant 0 : i32
    %dma_start3A_411 = tpu.memref_slice %arg7[%dma_start3A_409, %dma_start3A_410] : memref<512x128xf32, #tpu.memory_space<vmem>> -> memref<16x128xf32, #tpu.memory_space<vmem>>
    %dma_start3A_412 = arith.constant 0 : i32
    %dma_start3A_413 = arith.constant 0 : i32
    %dma_start3A_414 = tpu.memref_slice %arg2[%dma_start3A_408, %dma_start3A_412, %dma_start3A_413] : memref<16384x26x128xf32, #tpu.memory_space<hbm>> -> memref<1x26x128xf32, #tpu.memory_space<hbm>>
    %dma_start3A_415 = tpu.memref_squeeze %dma_start3A_414 : memref<1x26x128xf32, #tpu.memory_space<hbm>> -> memref<26x128xf32, #tpu.memory_space<hbm>>
    %dma_start3A_416 = arith.constant 0 : i32
    %dma_start3A_417 = arith.constant 0 : i32
    %dma_start3A_418 = tpu.memref_slice %dma_start3A_415[%dma_start3A_416, %dma_start3A_417] : memref<26x128xf32, #tpu.memory_space<hbm>> -> memref<26x128xf32, #tpu.memory_space<hbm>>
    tpu.enqueue_indirect_dma source(%dma_start3A_418 : memref<26x128xf32, #tpu.memory_space<hbm>>) target(%dma_start3A_411 : memref<16x128xf32, #tpu.memory_space<vmem>>) offsets(%add3A_407 : vector<16xi32>) semaphore(%arg10 : memref<!tpu.dma_semaphore, #tpu.memory_space<semaphore_mem>>)
    %get3A_419 = arith.constant 304 : index
    %get3A_420 = tpu.vector_load %arg5[%get3A_419] {strides = array<i32>} : memref<512xi32, #tpu.memory_space<vmem>>, vector<16xi32>,
    %get3A_421 = vector.shape_cast %get3A_420 : vector<16xi32> to vector<16xi32>
    %add3A_422 = arith.constant 304 : i32
    %add3A_423 = arith.addi %mul3A_2, %add3A_422 : i32
    %add3A_424 = vector.broadcast %add3A_423 : i32 to vector<16xi32>
    %add3A_425 = arith.addi %add3A_424, %iota3A : vector<16xi32>
    %mul3A_426 = arith.constant 32 : i32
    %mul3A_427 = vector.broadcast %mul3A_426 : i32 to vector<16xi32>
    %mul3A_428 = arith.muli %add3A_425, %mul3A_427 : vector<16xi32>
    %add3A_429 = arith.addi %mul3A_428, %get3A_421 : vector<16xi32>
    %dma_start3A_430 = arith.constant 0 : i32
    %dma_start3A_431 = arith.constant 304 : i32
    %dma_start3A_432 = arith.constant 0 : i32
    %dma_start3A_433 = tpu.memref_slice %arg7[%dma_start3A_431, %dma_start3A_432] : memref<512x128xf32, #tpu.memory_space<vmem>> -> memref<16x128xf32, #tpu.memory_space<vmem>>
    %dma_start3A_434 = arith.constant 0 : i32
    %dma_start3A_435 = arith.constant 0 : i32
    %dma_start3A_436 = tpu.memref_slice %arg2[%dma_start3A_430, %dma_start3A_434, %dma_start3A_435] : memref<16384x26x128xf32, #tpu.memory_space<hbm>> -> memref<1x26x128xf32, #tpu.memory_space<hbm>>
    %dma_start3A_437 = tpu.memref_squeeze %dma_start3A_436 : memref<1x26x128xf32, #tpu.memory_space<hbm>> -> memref<26x128xf32, #tpu.memory_space<hbm>>
    %dma_start3A_438 = arith.constant 0 : i32
    %dma_start3A_439 = arith.constant 0 : i32
    %dma_start3A_440 = tpu.memref_slice %dma_start3A_437[%dma_start3A_438, %dma_start3A_439] : memref<26x128xf32, #tpu.memory_space<hbm>> -> memref<26x128xf32, #tpu.memory_space<hbm>>
    tpu.enqueue_indirect_dma source(%dma_start3A_440 : memref<26x128xf32, #tpu.memory_space<hbm>>) target(%dma_start3A_433 : memref<16x128xf32, #tpu.memory_space<vmem>>) offsets(%add3A_429 : vector<16xi32>) semaphore(%arg11 : memref<!tpu.dma_semaphore, #tpu.memory_space<semaphore_mem>>)
    %get3A_441 = arith.constant 320 : index
    %get3A_442 = tpu.vector_load %arg5[%get3A_441] {strides = array<i32>} : memref<512xi32, #tpu.memory_space<vmem>>, vector<16xi32>,
    %get3A_443 = vector.shape_cast %get3A_442 : vector<16xi32> to vector<16xi32>
    %add3A_444 = arith.constant 320 : i32
    %add3A_445 = arith.addi %mul3A_2, %add3A_444 : i32
    %add3A_446 = vector.broadcast %add3A_445 : i32 to vector<16xi32>
    %add3A_447 = arith.addi %add3A_446, %iota3A : vector<16xi32>
    %mul3A_448 = arith.constant 32 : i32
    %mul3A_449 = vector.broadcast %mul3A_448 : i32 to vector<16xi32>
    %mul3A_450 = arith.muli %add3A_447, %mul3A_449 : vector<16xi32>
    %add3A_451 = arith.addi %mul3A_450, %get3A_443 : vector<16xi32>
    %dma_start3A_452 = arith.constant 0 : i32
    %dma_start3A_453 = arith.constant 320 : i32
    %dma_start3A_454 = arith.constant 0 : i32
    %dma_start3A_455 = tpu.memref_slice %arg7[%dma_start3A_453, %dma_start3A_454] : memref<512x128xf32, #tpu.memory_space<vmem>> -> memref<16x128xf32, #tpu.memory_space<vmem>>
    %dma_start3A_456 = arith.constant 0 : i32
    %dma_start3A_457 = arith.constant 0 : i32
    %dma_start3A_458 = tpu.memref_slice %arg2[%dma_start3A_452, %dma_start3A_456, %dma_start3A_457] : memref<16384x26x128xf32, #tpu.memory_space<hbm>> -> memref<1x26x128xf32, #tpu.memory_space<hbm>>
    %dma_start3A_459 = tpu.memref_squeeze %dma_start3A_458 : memref<1x26x128xf32, #tpu.memory_space<hbm>> -> memref<26x128xf32, #tpu.memory_space<hbm>>
    %dma_start3A_460 = arith.constant 0 : i32
    %dma_start3A_461 = arith.constant 0 : i32
    %dma_start3A_462 = tpu.memref_slice %dma_start3A_459[%dma_start3A_460, %dma_start3A_461] : memref<26x128xf32, #tpu.memory_space<hbm>> -> memref<26x128xf32, #tpu.memory_space<hbm>>
    tpu.enqueue_indirect_dma source(%dma_start3A_462 : memref<26x128xf32, #tpu.memory_space<hbm>>) target(%dma_start3A_455 : memref<16x128xf32, #tpu.memory_space<vmem>>) offsets(%add3A_451 : vector<16xi32>) semaphore(%arg8 : memref<!tpu.dma_semaphore, #tpu.memory_space<semaphore_mem>>)
    %get3A_463 = arith.constant 336 : index
    %get3A_464 = tpu.vector_load %arg5[%get3A_463] {strides = array<i32>} : memref<512xi32, #tpu.memory_space<vmem>>, vector<16xi32>,
    %get3A_465 = vector.shape_cast %get3A_464 : vector<16xi32> to vector<16xi32>
    %add3A_466 = arith.constant 336 : i32
    %add3A_467 = arith.addi %mul3A_2, %add3A_466 : i32
    %add3A_468 = vector.broadcast %add3A_467 : i32 to vector<16xi32>
    %add3A_469 = arith.addi %add3A_468, %iota3A : vector<16xi32>
    %mul3A_470 = arith.constant 32 : i32
    %mul3A_471 = vector.broadcast %mul3A_470 : i32 to vector<16xi32>
    %mul3A_472 = arith.muli %add3A_469, %mul3A_471 : vector<16xi32>
    %add3A_473 = arith.addi %mul3A_472, %get3A_465 : vector<16xi32>
    %dma_start3A_474 = arith.constant 0 : i32
    %dma_start3A_475 = arith.constant 336 : i32
    %dma_start3A_476 = arith.constant 0 : i32
    %dma_start3A_477 = tpu.memref_slice %arg7[%dma_start3A_475, %dma_start3A_476] : memref<512x128xf32, #tpu.memory_space<vmem>> -> memref<16x128xf32, #tpu.memory_space<vmem>>
    %dma_start3A_478 = arith.constant 0 : i32
    %dma_start3A_479 = arith.constant 0 : i32
    %dma_start3A_480 = tpu.memref_slice %arg2[%dma_start3A_474, %dma_start3A_478, %dma_start3A_479] : memref<16384x26x128xf32, #tpu.memory_space<hbm>> -> memref<1x26x128xf32, #tpu.memory_space<hbm>>
    %dma_start3A_481 = tpu.memref_squeeze %dma_start3A_480 : memref<1x26x128xf32, #tpu.memory_space<hbm>> -> memref<26x128xf32, #tpu.memory_space<hbm>>
    %dma_start3A_482 = arith.constant 0 : i32
    %dma_start3A_483 = arith.constant 0 : i32
    %dma_start3A_484 = tpu.memref_slice %dma_start3A_481[%dma_start3A_482, %dma_start3A_483] : memref<26x128xf32, #tpu.memory_space<hbm>> -> memref<26x128xf32, #tpu.memory_space<hbm>>
    tpu.enqueue_indirect_dma source(%dma_start3A_484 : memref<26x128xf32, #tpu.memory_space<hbm>>) target(%dma_start3A_477 : memref<16x128xf32, #tpu.memory_space<vmem>>) offsets(%add3A_473 : vector<16xi32>) semaphore(%arg9 : memref<!tpu.dma_semaphore, #tpu.memory_space<semaphore_mem>>)
    %get3A_485 = arith.constant 352 : index
    %get3A_486 = tpu.vector_load %arg5[%get3A_485] {strides = array<i32>} : memref<512xi32, #tpu.memory_space<vmem>>, vector<16xi32>,
    %get3A_487 = vector.shape_cast %get3A_486 : vector<16xi32> to vector<16xi32>
    %add3A_488 = arith.constant 352 : i32
    %add3A_489 = arith.addi %mul3A_2, %add3A_488 : i32
    %add3A_490 = vector.broadcast %add3A_489 : i32 to vector<16xi32>
    %add3A_491 = arith.addi %add3A_490, %iota3A : vector<16xi32>
    %mul3A_492 = arith.constant 32 : i32
    %mul3A_493 = vector.broadcast %mul3A_492 : i32 to vector<16xi32>
    %mul3A_494 = arith.muli %add3A_491, %mul3A_493 : vector<16xi32>
    %add3A_495 = arith.addi %mul3A_494, %get3A_487 : vector<16xi32>
    %dma_start3A_496 = arith.constant 0 : i32
    %dma_start3A_497 = arith.constant 352 : i32
    %dma_start3A_498 = arith.constant 0 : i32
    %dma_start3A_499 = tpu.memref_slice %arg7[%dma_start3A_497, %dma_start3A_498] : memref<512x128xf32, #tpu.memory_space<vmem>> -> memref<16x128xf32, #tpu.memory_space<vmem>>
    %dma_start3A_500 = arith.constant 0 : i32
    %dma_start3A_501 = arith.constant 0 : i32
    %dma_start3A_502 = tpu.memref_slice %arg2[%dma_start3A_496, %dma_start3A_500, %dma_start3A_501] : memref<16384x26x128xf32, #tpu.memory_space<hbm>> -> memref<1x26x128xf32, #tpu.memory_space<hbm>>
    %dma_start3A_503 = tpu.memref_squeeze %dma_start3A_502 : memref<1x26x128xf32, #tpu.memory_space<hbm>> -> memref<26x128xf32, #tpu.memory_space<hbm>>
    %dma_start3A_504 = arith.constant 0 : i32
    %dma_start3A_505 = arith.constant 0 : i32
    %dma_start3A_506 = tpu.memref_slice %dma_start3A_503[%dma_start3A_504, %dma_start3A_505] : memref<26x128xf32, #tpu.memory_space<hbm>> -> memref<26x128xf32, #tpu.memory_space<hbm>>
    tpu.enqueue_indirect_dma source(%dma_start3A_506 : memref<26x128xf32, #tpu.memory_space<hbm>>) target(%dma_start3A_499 : memref<16x128xf32, #tpu.memory_space<vmem>>) offsets(%add3A_495 : vector<16xi32>) semaphore(%arg10 : memref<!tpu.dma_semaphore, #tpu.memory_space<semaphore_mem>>)
    %get3A_507 = arith.constant 368 : index
    %get3A_508 = tpu.vector_load %arg5[%get3A_507] {strides = array<i32>} : memref<512xi32, #tpu.memory_space<vmem>>, vector<16xi32>,
    %get3A_509 = vector.shape_cast %get3A_508 : vector<16xi32> to vector<16xi32>
    %add3A_510 = arith.constant 368 : i32
    %add3A_511 = arith.addi %mul3A_2, %add3A_510 : i32
    %add3A_512 = vector.broadcast %add3A_511 : i32 to vector<16xi32>
    %add3A_513 = arith.addi %add3A_512, %iota3A : vector<16xi32>
    %mul3A_514 = arith.constant 32 : i32
    %mul3A_515 = vector.broadcast %mul3A_514 : i32 to vector<16xi32>
    %mul3A_516 = arith.muli %add3A_513, %mul3A_515 : vector<16xi32>
    %add3A_517 = arith.addi %mul3A_516, %get3A_509 : vector<16xi32>
    %dma_start3A_518 = arith.constant 0 : i32
    %dma_start3A_519 = arith.constant 368 : i32
    %dma_start3A_520 = arith.constant 0 : i32
    %dma_start3A_521 = tpu.memref_slice %arg7[%dma_start3A_519, %dma_start3A_520] : memref<512x128xf32, #tpu.memory_space<vmem>> -> memref<16x128xf32, #tpu.memory_space<vmem>>
    %dma_start3A_522 = arith.constant 0 : i32
    %dma_start3A_523 = arith.constant 0 : i32
    %dma_start3A_524 = tpu.memref_slice %arg2[%dma_start3A_518, %dma_start3A_522, %dma_start3A_523] : memref<16384x26x128xf32, #tpu.memory_space<hbm>> -> memref<1x26x128xf32, #tpu.memory_space<hbm>>
    %dma_start3A_525 = tpu.memref_squeeze %dma_start3A_524 : memref<1x26x128xf32, #tpu.memory_space<hbm>> -> memref<26x128xf32, #tpu.memory_space<hbm>>
    %dma_start3A_526 = arith.constant 0 : i32
    %dma_start3A_527 = arith.constant 0 : i32
    %dma_start3A_528 = tpu.memref_slice %dma_start3A_525[%dma_start3A_526, %dma_start3A_527] : memref<26x128xf32, #tpu.memory_space<hbm>> -> memref<26x128xf32, #tpu.memory_space<hbm>>
    tpu.enqueue_indirect_dma source(%dma_start3A_528 : memref<26x128xf32, #tpu.memory_space<hbm>>) target(%dma_start3A_521 : memref<16x128xf32, #tpu.memory_space<vmem>>) offsets(%add3A_517 : vector<16xi32>) semaphore(%arg11 : memref<!tpu.dma_semaphore, #tpu.memory_space<semaphore_mem>>)
    %get3A_529 = arith.constant 384 : index
    %get3A_530 = tpu.vector_load %arg5[%get3A_529] {strides = array<i32>} : memref<512xi32, #tpu.memory_space<vmem>>, vector<16xi32>,
    %get3A_531 = vector.shape_cast %get3A_530 : vector<16xi32> to vector<16xi32>
    %add3A_532 = arith.constant 384 : i32
    %add3A_533 = arith.addi %mul3A_2, %add3A_532 : i32
    %add3A_534 = vector.broadcast %add3A_533 : i32 to vector<16xi32>
    %add3A_535 = arith.addi %add3A_534, %iota3A : vector<16xi32>
    %mul3A_536 = arith.constant 32 : i32
    %mul3A_537 = vector.broadcast %mul3A_536 : i32 to vector<16xi32>
    %mul3A_538 = arith.muli %add3A_535, %mul3A_537 : vector<16xi32>
    %add3A_539 = arith.addi %mul3A_538, %get3A_531 : vector<16xi32>
    %dma_start3A_540 = arith.constant 0 : i32
    %dma_start3A_541 = arith.constant 384 : i32
    %dma_start3A_542 = arith.constant 0 : i32
    %dma_start3A_543 = tpu.memref_slice %arg7[%dma_start3A_541, %dma_start3A_542] : memref<512x128xf32, #tpu.memory_space<vmem>> -> memref<16x128xf32, #tpu.memory_space<vmem>>
    %dma_start3A_544 = arith.constant 0 : i32
    %dma_start3A_545 = arith.constant 0 : i32
    %dma_start3A_546 = tpu.memref_slice %arg2[%dma_start3A_540, %dma_start3A_544, %dma_start3A_545] : memref<16384x26x128xf32, #tpu.memory_space<hbm>> -> memref<1x26x128xf32, #tpu.memory_space<hbm>>
    %dma_start3A_547 = tpu.memref_squeeze %dma_start3A_546 : memref<1x26x128xf32, #tpu.memory_space<hbm>> -> memref<26x128xf32, #tpu.memory_space<hbm>>
    %dma_start3A_548 = arith.constant 0 : i32
    %dma_start3A_549 = arith.constant 0 : i32
    %dma_start3A_550 = tpu.memref_slice %dma_start3A_547[%dma_start3A_548, %dma_start3A_549] : memref<26x128xf32, #tpu.memory_space<hbm>> -> memref<26x128xf32, #tpu.memory_space<hbm>>
    tpu.enqueue_indirect_dma source(%dma_start3A_550 : memref<26x128xf32, #tpu.memory_space<hbm>>) target(%dma_start3A_543 : memref<16x128xf32, #tpu.memory_space<vmem>>) offsets(%add3A_539 : vector<16xi32>) semaphore(%arg8 : memref<!tpu.dma_semaphore, #tpu.memory_space<semaphore_mem>>)
    %get3A_551 = arith.constant 400 : index
    %get3A_552 = tpu.vector_load %arg5[%get3A_551] {strides = array<i32>} : memref<512xi32, #tpu.memory_space<vmem>>, vector<16xi32>,
    %get3A_553 = vector.shape_cast %get3A_552 : vector<16xi32> to vector<16xi32>
    %add3A_554 = arith.constant 400 : i32
    %add3A_555 = arith.addi %mul3A_2, %add3A_554 : i32
    %add3A_556 = vector.broadcast %add3A_555 : i32 to vector<16xi32>
    %add3A_557 = arith.addi %add3A_556, %iota3A : vector<16xi32>
    %mul3A_558 = arith.constant 32 : i32
    %mul3A_559 = vector.broadcast %mul3A_558 : i32 to vector<16xi32>
    %mul3A_560 = arith.muli %add3A_557, %mul3A_559 : vector<16xi32>
    %add3A_561 = arith.addi %mul3A_560, %get3A_553 : vector<16xi32>
    %dma_start3A_562 = arith.constant 0 : i32
    %dma_start3A_563 = arith.constant 400 : i32
    %dma_start3A_564 = arith.constant 0 : i32
    %dma_start3A_565 = tpu.memref_slice %arg7[%dma_start3A_563, %dma_start3A_564] : memref<512x128xf32, #tpu.memory_space<vmem>> -> memref<16x128xf32, #tpu.memory_space<vmem>>
    %dma_start3A_566 = arith.constant 0 : i32
    %dma_start3A_567 = arith.constant 0 : i32
    %dma_start3A_568 = tpu.memref_slice %arg2[%dma_start3A_562, %dma_start3A_566, %dma_start3A_567] : memref<16384x26x128xf32, #tpu.memory_space<hbm>> -> memref<1x26x128xf32, #tpu.memory_space<hbm>>
    %dma_start3A_569 = tpu.memref_squeeze %dma_start3A_568 : memref<1x26x128xf32, #tpu.memory_space<hbm>> -> memref<26x128xf32, #tpu.memory_space<hbm>>
    %dma_start3A_570 = arith.constant 0 : i32
    %dma_start3A_571 = arith.constant 0 : i32
    %dma_start3A_572 = tpu.memref_slice %dma_start3A_569[%dma_start3A_570, %dma_start3A_571] : memref<26x128xf32, #tpu.memory_space<hbm>> -> memref<26x128xf32, #tpu.memory_space<hbm>>
    tpu.enqueue_indirect_dma source(%dma_start3A_572 : memref<26x128xf32, #tpu.memory_space<hbm>>) target(%dma_start3A_565 : memref<16x128xf32, #tpu.memory_space<vmem>>) offsets(%add3A_561 : vector<16xi32>) semaphore(%arg9 : memref<!tpu.dma_semaphore, #tpu.memory_space<semaphore_mem>>)
    %get3A_573 = arith.constant 416 : index
    %get3A_574 = tpu.vector_load %arg5[%get3A_573] {strides = array<i32>} : memref<512xi32, #tpu.memory_space<vmem>>, vector<16xi32>,
    %get3A_575 = vector.shape_cast %get3A_574 : vector<16xi32> to vector<16xi32>
    %add3A_576 = arith.constant 416 : i32
    %add3A_577 = arith.addi %mul3A_2, %add3A_576 : i32
    %add3A_578 = vector.broadcast %add3A_577 : i32 to vector<16xi32>
    %add3A_579 = arith.addi %add3A_578, %iota3A : vector<16xi32>
    %mul3A_580 = arith.constant 32 : i32
    %mul3A_581 = vector.broadcast %mul3A_580 : i32 to vector<16xi32>
    %mul3A_582 = arith.muli %add3A_579, %mul3A_581 : vector<16xi32>
    %add3A_583 = arith.addi %mul3A_582, %get3A_575 : vector<16xi32>
    %dma_start3A_584 = arith.constant 0 : i32
    %dma_start3A_585 = arith.constant 416 : i32
    %dma_start3A_586 = arith.constant 0 : i32
    %dma_start3A_587 = tpu.memref_slice %arg7[%dma_start3A_585, %dma_start3A_586] : memref<512x128xf32, #tpu.memory_space<vmem>> -> memref<16x128xf32, #tpu.memory_space<vmem>>
    %dma_start3A_588 = arith.constant 0 : i32
    %dma_start3A_589 = arith.constant 0 : i32
    %dma_start3A_590 = tpu.memref_slice %arg2[%dma_start3A_584, %dma_start3A_588, %dma_start3A_589] : memref<16384x26x128xf32, #tpu.memory_space<hbm>> -> memref<1x26x128xf32, #tpu.memory_space<hbm>>
    %dma_start3A_591 = tpu.memref_squeeze %dma_start3A_590 : memref<1x26x128xf32, #tpu.memory_space<hbm>> -> memref<26x128xf32, #tpu.memory_space<hbm>>
    %dma_start3A_592 = arith.constant 0 : i32
    %dma_start3A_593 = arith.constant 0 : i32
    %dma_start3A_594 = tpu.memref_slice %dma_start3A_591[%dma_start3A_592, %dma_start3A_593] : memref<26x128xf32, #tpu.memory_space<hbm>> -> memref<26x128xf32, #tpu.memory_space<hbm>>
    tpu.enqueue_indirect_dma source(%dma_start3A_594 : memref<26x128xf32, #tpu.memory_space<hbm>>) target(%dma_start3A_587 : memref<16x128xf32, #tpu.memory_space<vmem>>) offsets(%add3A_583 : vector<16xi32>) semaphore(%arg10 : memref<!tpu.dma_semaphore, #tpu.memory_space<semaphore_mem>>)
    %get3A_595 = arith.constant 432 : index
    %get3A_596 = tpu.vector_load %arg5[%get3A_595] {strides = array<i32>} : memref<512xi32, #tpu.memory_space<vmem>>, vector<16xi32>,
    %get3A_597 = vector.shape_cast %get3A_596 : vector<16xi32> to vector<16xi32>
    %add3A_598 = arith.constant 432 : i32
    %add3A_599 = arith.addi %mul3A_2, %add3A_598 : i32
    %add3A_600 = vector.broadcast %add3A_599 : i32 to vector<16xi32>
    %add3A_601 = arith.addi %add3A_600, %iota3A : vector<16xi32>
    %mul3A_602 = arith.constant 32 : i32
    %mul3A_603 = vector.broadcast %mul3A_602 : i32 to vector<16xi32>
    %mul3A_604 = arith.muli %add3A_601, %mul3A_603 : vector<16xi32>
    %add3A_605 = arith.addi %mul3A_604, %get3A_597 : vector<16xi32>
    %dma_start3A_606 = arith.constant 0 : i32
    %dma_start3A_607 = arith.constant 432 : i32
    %dma_start3A_608 = arith.constant 0 : i32
    %dma_start3A_609 = tpu.memref_slice %arg7[%dma_start3A_607, %dma_start3A_608] : memref<512x128xf32, #tpu.memory_space<vmem>> -> memref<16x128xf32, #tpu.memory_space<vmem>>
    %dma_start3A_610 = arith.constant 0 : i32
    %dma_start3A_611 = arith.constant 0 : i32
    %dma_start3A_612 = tpu.memref_slice %arg2[%dma_start3A_606, %dma_start3A_610, %dma_start3A_611] : memref<16384x26x128xf32, #tpu.memory_space<hbm>> -> memref<1x26x128xf32, #tpu.memory_space<hbm>>
    %dma_start3A_613 = tpu.memref_squeeze %dma_start3A_612 : memref<1x26x128xf32, #tpu.memory_space<hbm>> -> memref<26x128xf32, #tpu.memory_space<hbm>>
    %dma_start3A_614 = arith.constant 0 : i32
    %dma_start3A_615 = arith.constant 0 : i32
    %dma_start3A_616 = tpu.memref_slice %dma_start3A_613[%dma_start3A_614, %dma_start3A_615] : memref<26x128xf32, #tpu.memory_space<hbm>> -> memref<26x128xf32, #tpu.memory_space<hbm>>
    tpu.enqueue_indirect_dma source(%dma_start3A_616 : memref<26x128xf32, #tpu.memory_space<hbm>>) target(%dma_start3A_609 : memref<16x128xf32, #tpu.memory_space<vmem>>) offsets(%add3A_605 : vector<16xi32>) semaphore(%arg11 : memref<!tpu.dma_semaphore, #tpu.memory_space<semaphore_mem>>)
    %get3A_617 = arith.constant 448 : index
    %get3A_618 = tpu.vector_load %arg5[%get3A_617] {strides = array<i32>} : memref<512xi32, #tpu.memory_space<vmem>>, vector<16xi32>,
    %get3A_619 = vector.shape_cast %get3A_618 : vector<16xi32> to vector<16xi32>
    %add3A_620 = arith.constant 448 : i32
    %add3A_621 = arith.addi %mul3A_2, %add3A_620 : i32
    %add3A_622 = vector.broadcast %add3A_621 : i32 to vector<16xi32>
    %add3A_623 = arith.addi %add3A_622, %iota3A : vector<16xi32>
    %mul3A_624 = arith.constant 32 : i32
    %mul3A_625 = vector.broadcast %mul3A_624 : i32 to vector<16xi32>
    %mul3A_626 = arith.muli %add3A_623, %mul3A_625 : vector<16xi32>
    %add3A_627 = arith.addi %mul3A_626, %get3A_619 : vector<16xi32>
    %dma_start3A_628 = arith.constant 0 : i32
    %dma_start3A_629 = arith.constant 448 : i32
    %dma_start3A_630 = arith.constant 0 : i32
    %dma_start3A_631 = tpu.memref_slice %arg7[%dma_start3A_629, %dma_start3A_630] : memref<512x128xf32, #tpu.memory_space<vmem>> -> memref<16x128xf32, #tpu.memory_space<vmem>>
    %dma_start3A_632 = arith.constant 0 : i32
    %dma_start3A_633 = arith.constant 0 : i32
    %dma_start3A_634 = tpu.memref_slice %arg2[%dma_start3A_628, %dma_start3A_632, %dma_start3A_633] : memref<16384x26x128xf32, #tpu.memory_space<hbm>> -> memref<1x26x128xf32, #tpu.memory_space<hbm>>
    %dma_start3A_635 = tpu.memref_squeeze %dma_start3A_634 : memref<1x26x128xf32, #tpu.memory_space<hbm>> -> memref<26x128xf32, #tpu.memory_space<hbm>>
    %dma_start3A_636 = arith.constant 0 : i32
    %dma_start3A_637 = arith.constant 0 : i32
    %dma_start3A_638 = tpu.memref_slice %dma_start3A_635[%dma_start3A_636, %dma_start3A_637] : memref<26x128xf32, #tpu.memory_space<hbm>> -> memref<26x128xf32, #tpu.memory_space<hbm>>
    tpu.enqueue_indirect_dma source(%dma_start3A_638 : memref<26x128xf32, #tpu.memory_space<hbm>>) target(%dma_start3A_631 : memref<16x128xf32, #tpu.memory_space<vmem>>) offsets(%add3A_627 : vector<16xi32>) semaphore(%arg8 : memref<!tpu.dma_semaphore, #tpu.memory_space<semaphore_mem>>)
    %get3A_639 = arith.constant 464 : index
    %get3A_640 = tpu.vector_load %arg5[%get3A_639] {strides = array<i32>} : memref<512xi32, #tpu.memory_space<vmem>>, vector<16xi32>,
    %get3A_641 = vector.shape_cast %get3A_640 : vector<16xi32> to vector<16xi32>
    %add3A_642 = arith.constant 464 : i32
    %add3A_643 = arith.addi %mul3A_2, %add3A_642 : i32
    %add3A_644 = vector.broadcast %add3A_643 : i32 to vector<16xi32>
    %add3A_645 = arith.addi %add3A_644, %iota3A : vector<16xi32>
    %mul3A_646 = arith.constant 32 : i32
    %mul3A_647 = vector.broadcast %mul3A_646 : i32 to vector<16xi32>
    %mul3A_648 = arith.muli %add3A_645, %mul3A_647 : vector<16xi32>
    %add3A_649 = arith.addi %mul3A_648, %get3A_641 : vector<16xi32>
    %dma_start3A_650 = arith.constant 0 : i32
    %dma_start3A_651 = arith.constant 464 : i32
    %dma_start3A_652 = arith.constant 0 : i32
    %dma_start3A_653 = tpu.memref_slice %arg7[%dma_start3A_651, %dma_start3A_652] : memref<512x128xf32, #tpu.memory_space<vmem>> -> memref<16x128xf32, #tpu.memory_space<vmem>>
    %dma_start3A_654 = arith.constant 0 : i32
    %dma_start3A_655 = arith.constant 0 : i32
    %dma_start3A_656 = tpu.memref_slice %arg2[%dma_start3A_650, %dma_start3A_654, %dma_start3A_655] : memref<16384x26x128xf32, #tpu.memory_space<hbm>> -> memref<1x26x128xf32, #tpu.memory_space<hbm>>
    %dma_start3A_657 = tpu.memref_squeeze %dma_start3A_656 : memref<1x26x128xf32, #tpu.memory_space<hbm>> -> memref<26x128xf32, #tpu.memory_space<hbm>>
    %dma_start3A_658 = arith.constant 0 : i32
    %dma_start3A_659 = arith.constant 0 : i32
    %dma_start3A_660 = tpu.memref_slice %dma_start3A_657[%dma_start3A_658, %dma_start3A_659] : memref<26x128xf32, #tpu.memory_space<hbm>> -> memref<26x128xf32, #tpu.memory_space<hbm>>
    tpu.enqueue_indirect_dma source(%dma_start3A_660 : memref<26x128xf32, #tpu.memory_space<hbm>>) target(%dma_start3A_653 : memref<16x128xf32, #tpu.memory_space<vmem>>) offsets(%add3A_649 : vector<16xi32>) semaphore(%arg9 : memref<!tpu.dma_semaphore, #tpu.memory_space<semaphore_mem>>)
    %get3A_661 = arith.constant 480 : index
    %get3A_662 = tpu.vector_load %arg5[%get3A_661] {strides = array<i32>} : memref<512xi32, #tpu.memory_space<vmem>>, vector<16xi32>,
    %get3A_663 = vector.shape_cast %get3A_662 : vector<16xi32> to vector<16xi32>
    %add3A_664 = arith.constant 480 : i32
    %add3A_665 = arith.addi %mul3A_2, %add3A_664 : i32
    %add3A_666 = vector.broadcast %add3A_665 : i32 to vector<16xi32>
    %add3A_667 = arith.addi %add3A_666, %iota3A : vector<16xi32>
    %mul3A_668 = arith.constant 32 : i32
    %mul3A_669 = vector.broadcast %mul3A_668 : i32 to vector<16xi32>
    %mul3A_670 = arith.muli %add3A_667, %mul3A_669 : vector<16xi32>
    %add3A_671 = arith.addi %mul3A_670, %get3A_663 : vector<16xi32>
    %dma_start3A_672 = arith.constant 0 : i32
    %dma_start3A_673 = arith.constant 480 : i32
    %dma_start3A_674 = arith.constant 0 : i32
    %dma_start3A_675 = tpu.memref_slice %arg7[%dma_start3A_673, %dma_start3A_674] : memref<512x128xf32, #tpu.memory_space<vmem>> -> memref<16x128xf32, #tpu.memory_space<vmem>>
    %dma_start3A_676 = arith.constant 0 : i32
    %dma_start3A_677 = arith.constant 0 : i32
    %dma_start3A_678 = tpu.memref_slice %arg2[%dma_start3A_672, %dma_start3A_676, %dma_start3A_677] : memref<16384x26x128xf32, #tpu.memory_space<hbm>> -> memref<1x26x128xf32, #tpu.memory_space<hbm>>
    %dma_start3A_679 = tpu.memref_squeeze %dma_start3A_678 : memref<1x26x128xf32, #tpu.memory_space<hbm>> -> memref<26x128xf32, #tpu.memory_space<hbm>>
    %dma_start3A_680 = arith.constant 0 : i32
    %dma_start3A_681 = arith.constant 0 : i32
    %dma_start3A_682 = tpu.memref_slice %dma_start3A_679[%dma_start3A_680, %dma_start3A_681] : memref<26x128xf32, #tpu.memory_space<hbm>> -> memref<26x128xf32, #tpu.memory_space<hbm>>
    tpu.enqueue_indirect_dma source(%dma_start3A_682 : memref<26x128xf32, #tpu.memory_space<hbm>>) target(%dma_start3A_675 : memref<16x128xf32, #tpu.memory_space<vmem>>) offsets(%add3A_671 : vector<16xi32>) semaphore(%arg10 : memref<!tpu.dma_semaphore, #tpu.memory_space<semaphore_mem>>)
    %get3A_683 = arith.constant 496 : index
    %get3A_684 = tpu.vector_load %arg5[%get3A_683] {strides = array<i32>} : memref<512xi32, #tpu.memory_space<vmem>>, vector<16xi32>,
    %get3A_685 = vector.shape_cast %get3A_684 : vector<16xi32> to vector<16xi32>
    %add3A_686 = arith.constant 496 : i32
    %add3A_687 = arith.addi %mul3A_2, %add3A_686 : i32
    %add3A_688 = vector.broadcast %add3A_687 : i32 to vector<16xi32>
    %add3A_689 = arith.addi %add3A_688, %iota3A : vector<16xi32>
    %mul3A_690 = arith.constant 32 : i32
    %mul3A_691 = vector.broadcast %mul3A_690 : i32 to vector<16xi32>
    %mul3A_692 = arith.muli %add3A_689, %mul3A_691 : vector<16xi32>
    %add3A_693 = arith.addi %mul3A_692, %get3A_685 : vector<16xi32>
    %dma_start3A_694 = arith.constant 0 : i32
    %dma_start3A_695 = arith.constant 496 : i32
    %dma_start3A_696 = arith.constant 0 : i32
    %dma_start3A_697 = tpu.memref_slice %arg7[%dma_start3A_695, %dma_start3A_696] : memref<512x128xf32, #tpu.memory_space<vmem>> -> memref<16x128xf32, #tpu.memory_space<vmem>>
    %dma_start3A_698 = arith.constant 0 : i32
    %dma_start3A_699 = arith.constant 0 : i32
    %dma_start3A_700 = tpu.memref_slice %arg2[%dma_start3A_694, %dma_start3A_698, %dma_start3A_699] : memref<16384x26x128xf32, #tpu.memory_space<hbm>> -> memref<1x26x128xf32, #tpu.memory_space<hbm>>
    %dma_start3A_701 = tpu.memref_squeeze %dma_start3A_700 : memref<1x26x128xf32, #tpu.memory_space<hbm>> -> memref<26x128xf32, #tpu.memory_space<hbm>>
    %dma_start3A_702 = arith.constant 0 : i32
    %dma_start3A_703 = arith.constant 0 : i32
    %dma_start3A_704 = tpu.memref_slice %dma_start3A_701[%dma_start3A_702, %dma_start3A_703] : memref<26x128xf32, #tpu.memory_space<hbm>> -> memref<26x128xf32, #tpu.memory_space<hbm>>
    tpu.enqueue_indirect_dma source(%dma_start3A_704 : memref<26x128xf32, #tpu.memory_space<hbm>>) target(%dma_start3A_697 : memref<16x128xf32, #tpu.memory_space<vmem>>) offsets(%add3A_693 : vector<16xi32>) semaphore(%arg11 : memref<!tpu.dma_semaphore, #tpu.memory_space<semaphore_mem>>)
    %dma_wait3A = arith.constant 0 : i32
    %dma_wait3A_705 = arith.constant 0 : i32
    %dma_wait3A_706 = arith.constant 0 : i32
    %dma_wait3A_707 = tpu.memref_slice %arg7[%dma_wait3A_705, %dma_wait3A_706] : memref<512x128xf32, #tpu.memory_space<vmem>> -> memref<16x128xf32, #tpu.memory_space<vmem>>
    %dma_wait3A_708 = arith.constant 0 : i32
    %dma_wait3A_709 = arith.constant 0 : i32
    %dma_wait3A_710 = tpu.memref_slice %arg2[%dma_wait3A, %dma_wait3A_708, %dma_wait3A_709] : memref<16384x26x128xf32, #tpu.memory_space<hbm>> -> memref<1x26x128xf32, #tpu.memory_space<hbm>>
    %dma_wait3A_711 = tpu.memref_squeeze %dma_wait3A_710 : memref<1x26x128xf32, #tpu.memory_space<hbm>> -> memref<26x128xf32, #tpu.memory_space<hbm>>
    %dma_wait3A_712 = arith.constant 0 : i32
    %dma_wait3A_713 = arith.constant 0 : i32
    %dma_wait3A_714 = tpu.memref_slice %dma_wait3A_711[%dma_wait3A_712, %dma_wait3A_713] : memref<26x128xf32, #tpu.memory_space<hbm>> -> memref<26x128xf32, #tpu.memory_space<hbm>>
    tpu.wait_indirect_dma semaphore(%arg8 : memref<!tpu.dma_semaphore, #tpu.memory_space<semaphore_mem>>) src(%dma_wait3A_714 : memref<26x128xf32, #tpu.memory_space<hbm>>) dst(%dma_wait3A_707 : memref<16x128xf32, #tpu.memory_space<vmem>>)
    %dma_wait3A_715 = arith.constant 0 : i32
    %dma_wait3A_716 = arith.constant 16 : i32
    %dma_wait3A_717 = arith.constant 0 : i32
    %dma_wait3A_718 = tpu.memref_slice %arg7[%dma_wait3A_716, %dma_wait3A_717] : memref<512x128xf32, #tpu.memory_space<vmem>> -> memref<16x128xf32, #tpu.memory_space<vmem>>
    %dma_wait3A_719 = arith.constant 0 : i32
    %dma_wait3A_720 = arith.constant 0 : i32
    %dma_wait3A_721 = tpu.memref_slice %arg2[%dma_wait3A_715, %dma_wait3A_719, %dma_wait3A_720] : memref<16384x26x128xf32, #tpu.memory_space<hbm>> -> memref<1x26x128xf32, #tpu.memory_space<hbm>>
    %dma_wait3A_722 = tpu.memref_squeeze %dma_wait3A_721 : memref<1x26x128xf32, #tpu.memory_space<hbm>> -> memref<26x128xf32, #tpu.memory_space<hbm>>
    %dma_wait3A_723 = arith.constant 0 : i32
    %dma_wait3A_724 = arith.constant 0 : i32
    %dma_wait3A_725 = tpu.memref_slice %dma_wait3A_722[%dma_wait3A_723, %dma_wait3A_724] : memref<26x128xf32, #tpu.memory_space<hbm>> -> memref<26x128xf32, #tpu.memory_space<hbm>>
    tpu.wait_indirect_dma semaphore(%arg9 : memref<!tpu.dma_semaphore, #tpu.memory_space<semaphore_mem>>) src(%dma_wait3A_725 : memref<26x128xf32, #tpu.memory_space<hbm>>) dst(%dma_wait3A_718 : memref<16x128xf32, #tpu.memory_space<vmem>>)
    %dma_wait3A_726 = arith.constant 0 : i32
    %dma_wait3A_727 = arith.constant 32 : i32
    %dma_wait3A_728 = arith.constant 0 : i32
    %dma_wait3A_729 = tpu.memref_slice %arg7[%dma_wait3A_727, %dma_wait3A_728] : memref<512x128xf32, #tpu.memory_space<vmem>> -> memref<16x128xf32, #tpu.memory_space<vmem>>
    %dma_wait3A_730 = arith.constant 0 : i32
    %dma_wait3A_731 = arith.constant 0 : i32
    %dma_wait3A_732 = tpu.memref_slice %arg2[%dma_wait3A_726, %dma_wait3A_730, %dma_wait3A_731] : memref<16384x26x128xf32, #tpu.memory_space<hbm>> -> memref<1x26x128xf32, #tpu.memory_space<hbm>>
    %dma_wait3A_733 = tpu.memref_squeeze %dma_wait3A_732 : memref<1x26x128xf32, #tpu.memory_space<hbm>> -> memref<26x128xf32, #tpu.memory_space<hbm>>
    %dma_wait3A_734 = arith.constant 0 : i32
    %dma_wait3A_735 = arith.constant 0 : i32
    %dma_wait3A_736 = tpu.memref_slice %dma_wait3A_733[%dma_wait3A_734, %dma_wait3A_735] : memref<26x128xf32, #tpu.memory_space<hbm>> -> memref<26x128xf32, #tpu.memory_space<hbm>>
    tpu.wait_indirect_dma semaphore(%arg10 : memref<!tpu.dma_semaphore, #tpu.memory_space<semaphore_mem>>) src(%dma_wait3A_736 : memref<26x128xf32, #tpu.memory_space<hbm>>) dst(%dma_wait3A_729 : memref<16x128xf32, #tpu.memory_space<vmem>>)
    %dma_wait3A_737 = arith.constant 0 : i32
    %dma_wait3A_738 = arith.constant 48 : i32
    %dma_wait3A_739 = arith.constant 0 : i32
    %dma_wait3A_740 = tpu.memref_slice %arg7[%dma_wait3A_738, %dma_wait3A_739] : memref<512x128xf32, #tpu.memory_space<vmem>> -> memref<16x128xf32, #tpu.memory_space<vmem>>
    %dma_wait3A_741 = arith.constant 0 : i32
    %dma_wait3A_742 = arith.constant 0 : i32
    %dma_wait3A_743 = tpu.memref_slice %arg2[%dma_wait3A_737, %dma_wait3A_741, %dma_wait3A_742] : memref<16384x26x128xf32, #tpu.memory_space<hbm>> -> memref<1x26x128xf32, #tpu.memory_space<hbm>>
    %dma_wait3A_744 = tpu.memref_squeeze %dma_wait3A_743 : memref<1x26x128xf32, #tpu.memory_space<hbm>> -> memref<26x128xf32, #tpu.memory_space<hbm>>
    %dma_wait3A_745 = arith.constant 0 : i32
    %dma_wait3A_746 = arith.constant 0 : i32
    %dma_wait3A_747 = tpu.memref_slice %dma_wait3A_744[%dma_wait3A_745, %dma_wait3A_746] : memref<26x128xf32, #tpu.memory_space<hbm>> -> memref<26x128xf32, #tpu.memory_space<hbm>>
    tpu.wait_indirect_dma semaphore(%arg11 : memref<!tpu.dma_semaphore, #tpu.memory_space<semaphore_mem>>) src(%dma_wait3A_747 : memref<26x128xf32, #tpu.memory_space<hbm>>) dst(%dma_wait3A_740 : memref<16x128xf32, #tpu.memory_space<vmem>>)
    %dma_wait3A_748 = arith.constant 0 : i32
    %dma_wait3A_749 = arith.constant 64 : i32
    %dma_wait3A_750 = arith.constant 0 : i32
    %dma_wait3A_751 = tpu.memref_slice %arg7[%dma_wait3A_749, %dma_wait3A_750] : memref<512x128xf32, #tpu.memory_space<vmem>> -> memref<16x128xf32, #tpu.memory_space<vmem>>
    %dma_wait3A_752 = arith.constant 0 : i32
    %dma_wait3A_753 = arith.constant 0 : i32
    %dma_wait3A_754 = tpu.memref_slice %arg2[%dma_wait3A_748, %dma_wait3A_752, %dma_wait3A_753] : memref<16384x26x128xf32, #tpu.memory_space<hbm>> -> memref<1x26x128xf32, #tpu.memory_space<hbm>>
    %dma_wait3A_755 = tpu.memref_squeeze %dma_wait3A_754 : memref<1x26x128xf32, #tpu.memory_space<hbm>> -> memref<26x128xf32, #tpu.memory_space<hbm>>
    %dma_wait3A_756 = arith.constant 0 : i32
    %dma_wait3A_757 = arith.constant 0 : i32
    %dma_wait3A_758 = tpu.memref_slice %dma_wait3A_755[%dma_wait3A_756, %dma_wait3A_757] : memref<26x128xf32, #tpu.memory_space<hbm>> -> memref<26x128xf32, #tpu.memory_space<hbm>>
    tpu.wait_indirect_dma semaphore(%arg8 : memref<!tpu.dma_semaphore, #tpu.memory_space<semaphore_mem>>) src(%dma_wait3A_758 : memref<26x128xf32, #tpu.memory_space<hbm>>) dst(%dma_wait3A_751 : memref<16x128xf32, #tpu.memory_space<vmem>>)
    %dma_wait3A_759 = arith.constant 0 : i32
    %dma_wait3A_760 = arith.constant 80 : i32
    %dma_wait3A_761 = arith.constant 0 : i32
    %dma_wait3A_762 = tpu.memref_slice %arg7[%dma_wait3A_760, %dma_wait3A_761] : memref<512x128xf32, #tpu.memory_space<vmem>> -> memref<16x128xf32, #tpu.memory_space<vmem>>
    %dma_wait3A_763 = arith.constant 0 : i32
    %dma_wait3A_764 = arith.constant 0 : i32
    %dma_wait3A_765 = tpu.memref_slice %arg2[%dma_wait3A_759, %dma_wait3A_763, %dma_wait3A_764] : memref<16384x26x128xf32, #tpu.memory_space<hbm>> -> memref<1x26x128xf32, #tpu.memory_space<hbm>>
    %dma_wait3A_766 = tpu.memref_squeeze %dma_wait3A_765 : memref<1x26x128xf32, #tpu.memory_space<hbm>> -> memref<26x128xf32, #tpu.memory_space<hbm>>
    %dma_wait3A_767 = arith.constant 0 : i32
    %dma_wait3A_768 = arith.constant 0 : i32
    %dma_wait3A_769 = tpu.memref_slice %dma_wait3A_766[%dma_wait3A_767, %dma_wait3A_768] : memref<26x128xf32, #tpu.memory_space<hbm>> -> memref<26x128xf32, #tpu.memory_space<hbm>>
    tpu.wait_indirect_dma semaphore(%arg9 : memref<!tpu.dma_semaphore, #tpu.memory_space<semaphore_mem>>) src(%dma_wait3A_769 : memref<26x128xf32, #tpu.memory_space<hbm>>) dst(%dma_wait3A_762 : memref<16x128xf32, #tpu.memory_space<vmem>>)
    %dma_wait3A_770 = arith.constant 0 : i32
    %dma_wait3A_771 = arith.constant 96 : i32
    %dma_wait3A_772 = arith.constant 0 : i32
    %dma_wait3A_773 = tpu.memref_slice %arg7[%dma_wait3A_771, %dma_wait3A_772] : memref<512x128xf32, #tpu.memory_space<vmem>> -> memref<16x128xf32, #tpu.memory_space<vmem>>
    %dma_wait3A_774 = arith.constant 0 : i32
    %dma_wait3A_775 = arith.constant 0 : i32
    %dma_wait3A_776 = tpu.memref_slice %arg2[%dma_wait3A_770, %dma_wait3A_774, %dma_wait3A_775] : memref<16384x26x128xf32, #tpu.memory_space<hbm>> -> memref<1x26x128xf32, #tpu.memory_space<hbm>>
    %dma_wait3A_777 = tpu.memref_squeeze %dma_wait3A_776 : memref<1x26x128xf32, #tpu.memory_space<hbm>> -> memref<26x128xf32, #tpu.memory_space<hbm>>
    %dma_wait3A_778 = arith.constant 0 : i32
    %dma_wait3A_779 = arith.constant 0 : i32
    %dma_wait3A_780 = tpu.memref_slice %dma_wait3A_777[%dma_wait3A_778, %dma_wait3A_779] : memref<26x128xf32, #tpu.memory_space<hbm>> -> memref<26x128xf32, #tpu.memory_space<hbm>>
    tpu.wait_indirect_dma semaphore(%arg10 : memref<!tpu.dma_semaphore, #tpu.memory_space<semaphore_mem>>) src(%dma_wait3A_780 : memref<26x128xf32, #tpu.memory_space<hbm>>) dst(%dma_wait3A_773 : memref<16x128xf32, #tpu.memory_space<vmem>>)
    %dma_wait3A_781 = arith.constant 0 : i32
    %dma_wait3A_782 = arith.constant 112 : i32
    %dma_wait3A_783 = arith.constant 0 : i32
    %dma_wait3A_784 = tpu.memref_slice %arg7[%dma_wait3A_782, %dma_wait3A_783] : memref<512x128xf32, #tpu.memory_space<vmem>> -> memref<16x128xf32, #tpu.memory_space<vmem>>
    %dma_wait3A_785 = arith.constant 0 : i32
    %dma_wait3A_786 = arith.constant 0 : i32
    %dma_wait3A_787 = tpu.memref_slice %arg2[%dma_wait3A_781, %dma_wait3A_785, %dma_wait3A_786] : memref<16384x26x128xf32, #tpu.memory_space<hbm>> -> memref<1x26x128xf32, #tpu.memory_space<hbm>>
    %dma_wait3A_788 = tpu.memref_squeeze %dma_wait3A_787 : memref<1x26x128xf32, #tpu.memory_space<hbm>> -> memref<26x128xf32, #tpu.memory_space<hbm>>
    %dma_wait3A_789 = arith.constant 0 : i32
    %dma_wait3A_790 = arith.constant 0 : i32
    %dma_wait3A_791 = tpu.memref_slice %dma_wait3A_788[%dma_wait3A_789, %dma_wait3A_790] : memref<26x128xf32, #tpu.memory_space<hbm>> -> memref<26x128xf32, #tpu.memory_space<hbm>>
    tpu.wait_indirect_dma semaphore(%arg11 : memref<!tpu.dma_semaphore, #tpu.memory_space<semaphore_mem>>) src(%dma_wait3A_791 : memref<26x128xf32, #tpu.memory_space<hbm>>) dst(%dma_wait3A_784 : memref<16x128xf32, #tpu.memory_space<vmem>>)
    %dma_wait3A_792 = arith.constant 0 : i32
    %dma_wait3A_793 = arith.constant 128 : i32
    %dma_wait3A_794 = arith.constant 0 : i32
    %dma_wait3A_795 = tpu.memref_slice %arg7[%dma_wait3A_793, %dma_wait3A_794] : memref<512x128xf32, #tpu.memory_space<vmem>> -> memref<16x128xf32, #tpu.memory_space<vmem>>
    %dma_wait3A_796 = arith.constant 0 : i32
    %dma_wait3A_797 = arith.constant 0 : i32
    %dma_wait3A_798 = tpu.memref_slice %arg2[%dma_wait3A_792, %dma_wait3A_796, %dma_wait3A_797] : memref<16384x26x128xf32, #tpu.memory_space<hbm>> -> memref<1x26x128xf32, #tpu.memory_space<hbm>>
    %dma_wait3A_799 = tpu.memref_squeeze %dma_wait3A_798 : memref<1x26x128xf32, #tpu.memory_space<hbm>> -> memref<26x128xf32, #tpu.memory_space<hbm>>
    %dma_wait3A_800 = arith.constant 0 : i32
    %dma_wait3A_801 = arith.constant 0 : i32
    %dma_wait3A_802 = tpu.memref_slice %dma_wait3A_799[%dma_wait3A_800, %dma_wait3A_801] : memref<26x128xf32, #tpu.memory_space<hbm>> -> memref<26x128xf32, #tpu.memory_space<hbm>>
    tpu.wait_indirect_dma semaphore(%arg8 : memref<!tpu.dma_semaphore, #tpu.memory_space<semaphore_mem>>) src(%dma_wait3A_802 : memref<26x128xf32, #tpu.memory_space<hbm>>) dst(%dma_wait3A_795 : memref<16x128xf32, #tpu.memory_space<vmem>>)
    %dma_wait3A_803 = arith.constant 0 : i32
    %dma_wait3A_804 = arith.constant 144 : i32
    %dma_wait3A_805 = arith.constant 0 : i32
    %dma_wait3A_806 = tpu.memref_slice %arg7[%dma_wait3A_804, %dma_wait3A_805] : memref<512x128xf32, #tpu.memory_space<vmem>> -> memref<16x128xf32, #tpu.memory_space<vmem>>
    %dma_wait3A_807 = arith.constant 0 : i32
    %dma_wait3A_808 = arith.constant 0 : i32
    %dma_wait3A_809 = tpu.memref_slice %arg2[%dma_wait3A_803, %dma_wait3A_807, %dma_wait3A_808] : memref<16384x26x128xf32, #tpu.memory_space<hbm>> -> memref<1x26x128xf32, #tpu.memory_space<hbm>>
    %dma_wait3A_810 = tpu.memref_squeeze %dma_wait3A_809 : memref<1x26x128xf32, #tpu.memory_space<hbm>> -> memref<26x128xf32, #tpu.memory_space<hbm>>
    %dma_wait3A_811 = arith.constant 0 : i32
    %dma_wait3A_812 = arith.constant 0 : i32
    %dma_wait3A_813 = tpu.memref_slice %dma_wait3A_810[%dma_wait3A_811, %dma_wait3A_812] : memref<26x128xf32, #tpu.memory_space<hbm>> -> memref<26x128xf32, #tpu.memory_space<hbm>>
    tpu.wait_indirect_dma semaphore(%arg9 : memref<!tpu.dma_semaphore, #tpu.memory_space<semaphore_mem>>) src(%dma_wait3A_813 : memref<26x128xf32, #tpu.memory_space<hbm>>) dst(%dma_wait3A_806 : memref<16x128xf32, #tpu.memory_space<vmem>>)
    %dma_wait3A_814 = arith.constant 0 : i32
    %dma_wait3A_815 = arith.constant 160 : i32
    %dma_wait3A_816 = arith.constant 0 : i32
    %dma_wait3A_817 = tpu.memref_slice %arg7[%dma_wait3A_815, %dma_wait3A_816] : memref<512x128xf32, #tpu.memory_space<vmem>> -> memref<16x128xf32, #tpu.memory_space<vmem>>
    %dma_wait3A_818 = arith.constant 0 : i32
    %dma_wait3A_819 = arith.constant 0 : i32
    %dma_wait3A_820 = tpu.memref_slice %arg2[%dma_wait3A_814, %dma_wait3A_818, %dma_wait3A_819] : memref<16384x26x128xf32, #tpu.memory_space<hbm>> -> memref<1x26x128xf32, #tpu.memory_space<hbm>>
    %dma_wait3A_821 = tpu.memref_squeeze %dma_wait3A_820 : memref<1x26x128xf32, #tpu.memory_space<hbm>> -> memref<26x128xf32, #tpu.memory_space<hbm>>
    %dma_wait3A_822 = arith.constant 0 : i32
    %dma_wait3A_823 = arith.constant 0 : i32
    %dma_wait3A_824 = tpu.memref_slice %dma_wait3A_821[%dma_wait3A_822, %dma_wait3A_823] : memref<26x128xf32, #tpu.memory_space<hbm>> -> memref<26x128xf32, #tpu.memory_space<hbm>>
    tpu.wait_indirect_dma semaphore(%arg10 : memref<!tpu.dma_semaphore, #tpu.memory_space<semaphore_mem>>) src(%dma_wait3A_824 : memref<26x128xf32, #tpu.memory_space<hbm>>) dst(%dma_wait3A_817 : memref<16x128xf32, #tpu.memory_space<vmem>>)
    %dma_wait3A_825 = arith.constant 0 : i32
    %dma_wait3A_826 = arith.constant 176 : i32
    %dma_wait3A_827 = arith.constant 0 : i32
    %dma_wait3A_828 = tpu.memref_slice %arg7[%dma_wait3A_826, %dma_wait3A_827] : memref<512x128xf32, #tpu.memory_space<vmem>> -> memref<16x128xf32, #tpu.memory_space<vmem>>
    %dma_wait3A_829 = arith.constant 0 : i32
    %dma_wait3A_830 = arith.constant 0 : i32
    %dma_wait3A_831 = tpu.memref_slice %arg2[%dma_wait3A_825, %dma_wait3A_829, %dma_wait3A_830] : memref<16384x26x128xf32, #tpu.memory_space<hbm>> -> memref<1x26x128xf32, #tpu.memory_space<hbm>>
    %dma_wait3A_832 = tpu.memref_squeeze %dma_wait3A_831 : memref<1x26x128xf32, #tpu.memory_space<hbm>> -> memref<26x128xf32, #tpu.memory_space<hbm>>
    %dma_wait3A_833 = arith.constant 0 : i32
    %dma_wait3A_834 = arith.constant 0 : i32
    %dma_wait3A_835 = tpu.memref_slice %dma_wait3A_832[%dma_wait3A_833, %dma_wait3A_834] : memref<26x128xf32, #tpu.memory_space<hbm>> -> memref<26x128xf32, #tpu.memory_space<hbm>>
    tpu.wait_indirect_dma semaphore(%arg11 : memref<!tpu.dma_semaphore, #tpu.memory_space<semaphore_mem>>) src(%dma_wait3A_835 : memref<26x128xf32, #tpu.memory_space<hbm>>) dst(%dma_wait3A_828 : memref<16x128xf32, #tpu.memory_space<vmem>>)
    %dma_wait3A_836 = arith.constant 0 : i32
    %dma_wait3A_837 = arith.constant 192 : i32
    %dma_wait3A_838 = arith.constant 0 : i32
    %dma_wait3A_839 = tpu.memref_slice %arg7[%dma_wait3A_837, %dma_wait3A_838] : memref<512x128xf32, #tpu.memory_space<vmem>> -> memref<16x128xf32, #tpu.memory_space<vmem>>
    %dma_wait3A_840 = arith.constant 0 : i32
    %dma_wait3A_841 = arith.constant 0 : i32
    %dma_wait3A_842 = tpu.memref_slice %arg2[%dma_wait3A_836, %dma_wait3A_840, %dma_wait3A_841] : memref<16384x26x128xf32, #tpu.memory_space<hbm>> -> memref<1x26x128xf32, #tpu.memory_space<hbm>>
    %dma_wait3A_843 = tpu.memref_squeeze %dma_wait3A_842 : memref<1x26x128xf32, #tpu.memory_space<hbm>> -> memref<26x128xf32, #tpu.memory_space<hbm>>
    %dma_wait3A_844 = arith.constant 0 : i32
    %dma_wait3A_845 = arith.constant 0 : i32
    %dma_wait3A_846 = tpu.memref_slice %dma_wait3A_843[%dma_wait3A_844, %dma_wait3A_845] : memref<26x128xf32, #tpu.memory_space<hbm>> -> memref<26x128xf32, #tpu.memory_space<hbm>>
    tpu.wait_indirect_dma semaphore(%arg8 : memref<!tpu.dma_semaphore, #tpu.memory_space<semaphore_mem>>) src(%dma_wait3A_846 : memref<26x128xf32, #tpu.memory_space<hbm>>) dst(%dma_wait3A_839 : memref<16x128xf32, #tpu.memory_space<vmem>>)
    %dma_wait3A_847 = arith.constant 0 : i32
    %dma_wait3A_848 = arith.constant 208 : i32
    %dma_wait3A_849 = arith.constant 0 : i32
    %dma_wait3A_850 = tpu.memref_slice %arg7[%dma_wait3A_848, %dma_wait3A_849] : memref<512x128xf32, #tpu.memory_space<vmem>> -> memref<16x128xf32, #tpu.memory_space<vmem>>
    %dma_wait3A_851 = arith.constant 0 : i32
    %dma_wait3A_852 = arith.constant 0 : i32
    %dma_wait3A_853 = tpu.memref_slice %arg2[%dma_wait3A_847, %dma_wait3A_851, %dma_wait3A_852] : memref<16384x26x128xf32, #tpu.memory_space<hbm>> -> memref<1x26x128xf32, #tpu.memory_space<hbm>>
    %dma_wait3A_854 = tpu.memref_squeeze %dma_wait3A_853 : memref<1x26x128xf32, #tpu.memory_space<hbm>> -> memref<26x128xf32, #tpu.memory_space<hbm>>
    %dma_wait3A_855 = arith.constant 0 : i32
    %dma_wait3A_856 = arith.constant 0 : i32
    %dma_wait3A_857 = tpu.memref_slice %dma_wait3A_854[%dma_wait3A_855, %dma_wait3A_856] : memref<26x128xf32, #tpu.memory_space<hbm>> -> memref<26x128xf32, #tpu.memory_space<hbm>>
    tpu.wait_indirect_dma semaphore(%arg9 : memref<!tpu.dma_semaphore, #tpu.memory_space<semaphore_mem>>) src(%dma_wait3A_857 : memref<26x128xf32, #tpu.memory_space<hbm>>) dst(%dma_wait3A_850 : memref<16x128xf32, #tpu.memory_space<vmem>>)
    %dma_wait3A_858 = arith.constant 0 : i32
    %dma_wait3A_859 = arith.constant 224 : i32
    %dma_wait3A_860 = arith.constant 0 : i32
    %dma_wait3A_861 = tpu.memref_slice %arg7[%dma_wait3A_859, %dma_wait3A_860] : memref<512x128xf32, #tpu.memory_space<vmem>> -> memref<16x128xf32, #tpu.memory_space<vmem>>
    %dma_wait3A_862 = arith.constant 0 : i32
    %dma_wait3A_863 = arith.constant 0 : i32
    %dma_wait3A_864 = tpu.memref_slice %arg2[%dma_wait3A_858, %dma_wait3A_862, %dma_wait3A_863] : memref<16384x26x128xf32, #tpu.memory_space<hbm>> -> memref<1x26x128xf32, #tpu.memory_space<hbm>>
    %dma_wait3A_865 = tpu.memref_squeeze %dma_wait3A_864 : memref<1x26x128xf32, #tpu.memory_space<hbm>> -> memref<26x128xf32, #tpu.memory_space<hbm>>
    %dma_wait3A_866 = arith.constant 0 : i32
    %dma_wait3A_867 = arith.constant 0 : i32
    %dma_wait3A_868 = tpu.memref_slice %dma_wait3A_865[%dma_wait3A_866, %dma_wait3A_867] : memref<26x128xf32, #tpu.memory_space<hbm>> -> memref<26x128xf32, #tpu.memory_space<hbm>>
    tpu.wait_indirect_dma semaphore(%arg10 : memref<!tpu.dma_semaphore, #tpu.memory_space<semaphore_mem>>) src(%dma_wait3A_868 : memref<26x128xf32, #tpu.memory_space<hbm>>) dst(%dma_wait3A_861 : memref<16x128xf32, #tpu.memory_space<vmem>>)
    %dma_wait3A_869 = arith.constant 0 : i32
    %dma_wait3A_870 = arith.constant 240 : i32
    %dma_wait3A_871 = arith.constant 0 : i32
    %dma_wait3A_872 = tpu.memref_slice %arg7[%dma_wait3A_870, %dma_wait3A_871] : memref<512x128xf32, #tpu.memory_space<vmem>> -> memref<16x128xf32, #tpu.memory_space<vmem>>
    %dma_wait3A_873 = arith.constant 0 : i32
    %dma_wait3A_874 = arith.constant 0 : i32
    %dma_wait3A_875 = tpu.memref_slice %arg2[%dma_wait3A_869, %dma_wait3A_873, %dma_wait3A_874] : memref<16384x26x128xf32, #tpu.memory_space<hbm>> -> memref<1x26x128xf32, #tpu.memory_space<hbm>>
    %dma_wait3A_876 = tpu.memref_squeeze %dma_wait3A_875 : memref<1x26x128xf32, #tpu.memory_space<hbm>> -> memref<26x128xf32, #tpu.memory_space<hbm>>
    %dma_wait3A_877 = arith.constant 0 : i32
    %dma_wait3A_878 = arith.constant 0 : i32
    %dma_wait3A_879 = tpu.memref_slice %dma_wait3A_876[%dma_wait3A_877, %dma_wait3A_878] : memref<26x128xf32, #tpu.memory_space<hbm>> -> memref<26x128xf32, #tpu.memory_space<hbm>>
    tpu.wait_indirect_dma semaphore(%arg11 : memref<!tpu.dma_semaphore, #tpu.memory_space<semaphore_mem>>) src(%dma_wait3A_879 : memref<26x128xf32, #tpu.memory_space<hbm>>) dst(%dma_wait3A_872 : memref<16x128xf32, #tpu.memory_space<vmem>>)
    %dma_wait3A_880 = arith.constant 0 : i32
    %dma_wait3A_881 = arith.constant 256 : i32
    %dma_wait3A_882 = arith.constant 0 : i32
    %dma_wait3A_883 = tpu.memref_slice %arg7[%dma_wait3A_881, %dma_wait3A_882] : memref<512x128xf32, #tpu.memory_space<vmem>> -> memref<16x128xf32, #tpu.memory_space<vmem>>
    %dma_wait3A_884 = arith.constant 0 : i32
    %dma_wait3A_885 = arith.constant 0 : i32
    %dma_wait3A_886 = tpu.memref_slice %arg2[%dma_wait3A_880, %dma_wait3A_884, %dma_wait3A_885] : memref<16384x26x128xf32, #tpu.memory_space<hbm>> -> memref<1x26x128xf32, #tpu.memory_space<hbm>>
    %dma_wait3A_887 = tpu.memref_squeeze %dma_wait3A_886 : memref<1x26x128xf32, #tpu.memory_space<hbm>> -> memref<26x128xf32, #tpu.memory_space<hbm>>
    %dma_wait3A_888 = arith.constant 0 : i32
    %dma_wait3A_889 = arith.constant 0 : i32
    %dma_wait3A_890 = tpu.memref_slice %dma_wait3A_887[%dma_wait3A_888, %dma_wait3A_889] : memref<26x128xf32, #tpu.memory_space<hbm>> -> memref<26x128xf32, #tpu.memory_space<hbm>>
    tpu.wait_indirect_dma semaphore(%arg8 : memref<!tpu.dma_semaphore, #tpu.memory_space<semaphore_mem>>) src(%dma_wait3A_890 : memref<26x128xf32, #tpu.memory_space<hbm>>) dst(%dma_wait3A_883 : memref<16x128xf32, #tpu.memory_space<vmem>>)
    %dma_wait3A_891 = arith.constant 0 : i32
    %dma_wait3A_892 = arith.constant 272 : i32
    %dma_wait3A_893 = arith.constant 0 : i32
    %dma_wait3A_894 = tpu.memref_slice %arg7[%dma_wait3A_892, %dma_wait3A_893] : memref<512x128xf32, #tpu.memory_space<vmem>> -> memref<16x128xf32, #tpu.memory_space<vmem>>
    %dma_wait3A_895 = arith.constant 0 : i32
    %dma_wait3A_896 = arith.constant 0 : i32
    %dma_wait3A_897 = tpu.memref_slice %arg2[%dma_wait3A_891, %dma_wait3A_895, %dma_wait3A_896] : memref<16384x26x128xf32, #tpu.memory_space<hbm>> -> memref<1x26x128xf32, #tpu.memory_space<hbm>>
    %dma_wait3A_898 = tpu.memref_squeeze %dma_wait3A_897 : memref<1x26x128xf32, #tpu.memory_space<hbm>> -> memref<26x128xf32, #tpu.memory_space<hbm>>
    %dma_wait3A_899 = arith.constant 0 : i32
    %dma_wait3A_900 = arith.constant 0 : i32
    %dma_wait3A_901 = tpu.memref_slice %dma_wait3A_898[%dma_wait3A_899, %dma_wait3A_900] : memref<26x128xf32, #tpu.memory_space<hbm>> -> memref<26x128xf32, #tpu.memory_space<hbm>>
    tpu.wait_indirect_dma semaphore(%arg9 : memref<!tpu.dma_semaphore, #tpu.memory_space<semaphore_mem>>) src(%dma_wait3A_901 : memref<26x128xf32, #tpu.memory_space<hbm>>) dst(%dma_wait3A_894 : memref<16x128xf32, #tpu.memory_space<vmem>>)
    %dma_wait3A_902 = arith.constant 0 : i32
    %dma_wait3A_903 = arith.constant 288 : i32
    %dma_wait3A_904 = arith.constant 0 : i32
    %dma_wait3A_905 = tpu.memref_slice %arg7[%dma_wait3A_903, %dma_wait3A_904] : memref<512x128xf32, #tpu.memory_space<vmem>> -> memref<16x128xf32, #tpu.memory_space<vmem>>
    %dma_wait3A_906 = arith.constant 0 : i32
    %dma_wait3A_907 = arith.constant 0 : i32
    %dma_wait3A_908 = tpu.memref_slice %arg2[%dma_wait3A_902, %dma_wait3A_906, %dma_wait3A_907] : memref<16384x26x128xf32, #tpu.memory_space<hbm>> -> memref<1x26x128xf32, #tpu.memory_space<hbm>>
    %dma_wait3A_909 = tpu.memref_squeeze %dma_wait3A_908 : memref<1x26x128xf32, #tpu.memory_space<hbm>> -> memref<26x128xf32, #tpu.memory_space<hbm>>
    %dma_wait3A_910 = arith.constant 0 : i32
    %dma_wait3A_911 = arith.constant 0 : i32
    %dma_wait3A_912 = tpu.memref_slice %dma_wait3A_909[%dma_wait3A_910, %dma_wait3A_911] : memref<26x128xf32, #tpu.memory_space<hbm>> -> memref<26x128xf32, #tpu.memory_space<hbm>>
    tpu.wait_indirect_dma semaphore(%arg10 : memref<!tpu.dma_semaphore, #tpu.memory_space<semaphore_mem>>) src(%dma_wait3A_912 : memref<26x128xf32, #tpu.memory_space<hbm>>) dst(%dma_wait3A_905 : memref<16x128xf32, #tpu.memory_space<vmem>>)
    %dma_wait3A_913 = arith.constant 0 : i32
    %dma_wait3A_914 = arith.constant 304 : i32
    %dma_wait3A_915 = arith.constant 0 : i32
    %dma_wait3A_916 = tpu.memref_slice %arg7[%dma_wait3A_914, %dma_wait3A_915] : memref<512x128xf32, #tpu.memory_space<vmem>> -> memref<16x128xf32, #tpu.memory_space<vmem>>
    %dma_wait3A_917 = arith.constant 0 : i32
    %dma_wait3A_918 = arith.constant 0 : i32
    %dma_wait3A_919 = tpu.memref_slice %arg2[%dma_wait3A_913, %dma_wait3A_917, %dma_wait3A_918] : memref<16384x26x128xf32, #tpu.memory_space<hbm>> -> memref<1x26x128xf32, #tpu.memory_space<hbm>>
    %dma_wait3A_920 = tpu.memref_squeeze %dma_wait3A_919 : memref<1x26x128xf32, #tpu.memory_space<hbm>> -> memref<26x128xf32, #tpu.memory_space<hbm>>
    %dma_wait3A_921 = arith.constant 0 : i32
    %dma_wait3A_922 = arith.constant 0 : i32
    %dma_wait3A_923 = tpu.memref_slice %dma_wait3A_920[%dma_wait3A_921, %dma_wait3A_922] : memref<26x128xf32, #tpu.memory_space<hbm>> -> memref<26x128xf32, #tpu.memory_space<hbm>>
    tpu.wait_indirect_dma semaphore(%arg11 : memref<!tpu.dma_semaphore, #tpu.memory_space<semaphore_mem>>) src(%dma_wait3A_923 : memref<26x128xf32, #tpu.memory_space<hbm>>) dst(%dma_wait3A_916 : memref<16x128xf32, #tpu.memory_space<vmem>>)
    %dma_wait3A_924 = arith.constant 0 : i32
    %dma_wait3A_925 = arith.constant 320 : i32
    %dma_wait3A_926 = arith.constant 0 : i32
    %dma_wait3A_927 = tpu.memref_slice %arg7[%dma_wait3A_925, %dma_wait3A_926] : memref<512x128xf32, #tpu.memory_space<vmem>> -> memref<16x128xf32, #tpu.memory_space<vmem>>
    %dma_wait3A_928 = arith.constant 0 : i32
    %dma_wait3A_929 = arith.constant 0 : i32
    %dma_wait3A_930 = tpu.memref_slice %arg2[%dma_wait3A_924, %dma_wait3A_928, %dma_wait3A_929] : memref<16384x26x128xf32, #tpu.memory_space<hbm>> -> memref<1x26x128xf32, #tpu.memory_space<hbm>>
    %dma_wait3A_931 = tpu.memref_squeeze %dma_wait3A_930 : memref<1x26x128xf32, #tpu.memory_space<hbm>> -> memref<26x128xf32, #tpu.memory_space<hbm>>
    %dma_wait3A_932 = arith.constant 0 : i32
    %dma_wait3A_933 = arith.constant 0 : i32
    %dma_wait3A_934 = tpu.memref_slice %dma_wait3A_931[%dma_wait3A_932, %dma_wait3A_933] : memref<26x128xf32, #tpu.memory_space<hbm>> -> memref<26x128xf32, #tpu.memory_space<hbm>>
    tpu.wait_indirect_dma semaphore(%arg8 : memref<!tpu.dma_semaphore, #tpu.memory_space<semaphore_mem>>) src(%dma_wait3A_934 : memref<26x128xf32, #tpu.memory_space<hbm>>) dst(%dma_wait3A_927 : memref<16x128xf32, #tpu.memory_space<vmem>>)
    %dma_wait3A_935 = arith.constant 0 : i32
    %dma_wait3A_936 = arith.constant 336 : i32
    %dma_wait3A_937 = arith.constant 0 : i32
    %dma_wait3A_938 = tpu.memref_slice %arg7[%dma_wait3A_936, %dma_wait3A_937] : memref<512x128xf32, #tpu.memory_space<vmem>> -> memref<16x128xf32, #tpu.memory_space<vmem>>
    %dma_wait3A_939 = arith.constant 0 : i32
    %dma_wait3A_940 = arith.constant 0 : i32
    %dma_wait3A_941 = tpu.memref_slice %arg2[%dma_wait3A_935, %dma_wait3A_939, %dma_wait3A_940] : memref<16384x26x128xf32, #tpu.memory_space<hbm>> -> memref<1x26x128xf32, #tpu.memory_space<hbm>>
    %dma_wait3A_942 = tpu.memref_squeeze %dma_wait3A_941 : memref<1x26x128xf32, #tpu.memory_space<hbm>> -> memref<26x128xf32, #tpu.memory_space<hbm>>
    %dma_wait3A_943 = arith.constant 0 : i32
    %dma_wait3A_944 = arith.constant 0 : i32
    %dma_wait3A_945 = tpu.memref_slice %dma_wait3A_942[%dma_wait3A_943, %dma_wait3A_944] : memref<26x128xf32, #tpu.memory_space<hbm>> -> memref<26x128xf32, #tpu.memory_space<hbm>>
    tpu.wait_indirect_dma semaphore(%arg9 : memref<!tpu.dma_semaphore, #tpu.memory_space<semaphore_mem>>) src(%dma_wait3A_945 : memref<26x128xf32, #tpu.memory_space<hbm>>) dst(%dma_wait3A_938 : memref<16x128xf32, #tpu.memory_space<vmem>>)
    %dma_wait3A_946 = arith.constant 0 : i32
    %dma_wait3A_947 = arith.constant 352 : i32
    %dma_wait3A_948 = arith.constant 0 : i32
    %dma_wait3A_949 = tpu.memref_slice %arg7[%dma_wait3A_947, %dma_wait3A_948] : memref<512x128xf32, #tpu.memory_space<vmem>> -> memref<16x128xf32, #tpu.memory_space<vmem>>
    %dma_wait3A_950 = arith.constant 0 : i32
    %dma_wait3A_951 = arith.constant 0 : i32
    %dma_wait3A_952 = tpu.memref_slice %arg2[%dma_wait3A_946, %dma_wait3A_950, %dma_wait3A_951] : memref<16384x26x128xf32, #tpu.memory_space<hbm>> -> memref<1x26x128xf32, #tpu.memory_space<hbm>>
    %dma_wait3A_953 = tpu.memref_squeeze %dma_wait3A_952 : memref<1x26x128xf32, #tpu.memory_space<hbm>> -> memref<26x128xf32, #tpu.memory_space<hbm>>
    %dma_wait3A_954 = arith.constant 0 : i32
    %dma_wait3A_955 = arith.constant 0 : i32
    %dma_wait3A_956 = tpu.memref_slice %dma_wait3A_953[%dma_wait3A_954, %dma_wait3A_955] : memref<26x128xf32, #tpu.memory_space<hbm>> -> memref<26x128xf32, #tpu.memory_space<hbm>>
    tpu.wait_indirect_dma semaphore(%arg10 : memref<!tpu.dma_semaphore, #tpu.memory_space<semaphore_mem>>) src(%dma_wait3A_956 : memref<26x128xf32, #tpu.memory_space<hbm>>) dst(%dma_wait3A_949 : memref<16x128xf32, #tpu.memory_space<vmem>>)
    %dma_wait3A_957 = arith.constant 0 : i32
    %dma_wait3A_958 = arith.constant 368 : i32
    %dma_wait3A_959 = arith.constant 0 : i32
    %dma_wait3A_960 = tpu.memref_slice %arg7[%dma_wait3A_958, %dma_wait3A_959] : memref<512x128xf32, #tpu.memory_space<vmem>> -> memref<16x128xf32, #tpu.memory_space<vmem>>
    %dma_wait3A_961 = arith.constant 0 : i32
    %dma_wait3A_962 = arith.constant 0 : i32
    %dma_wait3A_963 = tpu.memref_slice %arg2[%dma_wait3A_957, %dma_wait3A_961, %dma_wait3A_962] : memref<16384x26x128xf32, #tpu.memory_space<hbm>> -> memref<1x26x128xf32, #tpu.memory_space<hbm>>
    %dma_wait3A_964 = tpu.memref_squeeze %dma_wait3A_963 : memref<1x26x128xf32, #tpu.memory_space<hbm>> -> memref<26x128xf32, #tpu.memory_space<hbm>>
    %dma_wait3A_965 = arith.constant 0 : i32
    %dma_wait3A_966 = arith.constant 0 : i32
    %dma_wait3A_967 = tpu.memref_slice %dma_wait3A_964[%dma_wait3A_965, %dma_wait3A_966] : memref<26x128xf32, #tpu.memory_space<hbm>> -> memref<26x128xf32, #tpu.memory_space<hbm>>
    tpu.wait_indirect_dma semaphore(%arg11 : memref<!tpu.dma_semaphore, #tpu.memory_space<semaphore_mem>>) src(%dma_wait3A_967 : memref<26x128xf32, #tpu.memory_space<hbm>>) dst(%dma_wait3A_960 : memref<16x128xf32, #tpu.memory_space<vmem>>)
    %dma_wait3A_968 = arith.constant 0 : i32
    %dma_wait3A_969 = arith.constant 384 : i32
    %dma_wait3A_970 = arith.constant 0 : i32
    %dma_wait3A_971 = tpu.memref_slice %arg7[%dma_wait3A_969, %dma_wait3A_970] : memref<512x128xf32, #tpu.memory_space<vmem>> -> memref<16x128xf32, #tpu.memory_space<vmem>>
    %dma_wait3A_972 = arith.constant 0 : i32
    %dma_wait3A_973 = arith.constant 0 : i32
    %dma_wait3A_974 = tpu.memref_slice %arg2[%dma_wait3A_968, %dma_wait3A_972, %dma_wait3A_973] : memref<16384x26x128xf32, #tpu.memory_space<hbm>> -> memref<1x26x128xf32, #tpu.memory_space<hbm>>
    %dma_wait3A_975 = tpu.memref_squeeze %dma_wait3A_974 : memref<1x26x128xf32, #tpu.memory_space<hbm>> -> memref<26x128xf32, #tpu.memory_space<hbm>>
    %dma_wait3A_976 = arith.constant 0 : i32
    %dma_wait3A_977 = arith.constant 0 : i32
    %dma_wait3A_978 = tpu.memref_slice %dma_wait3A_975[%dma_wait3A_976, %dma_wait3A_977] : memref<26x128xf32, #tpu.memory_space<hbm>> -> memref<26x128xf32, #tpu.memory_space<hbm>>
    tpu.wait_indirect_dma semaphore(%arg8 : memref<!tpu.dma_semaphore, #tpu.memory_space<semaphore_mem>>) src(%dma_wait3A_978 : memref<26x128xf32, #tpu.memory_space<hbm>>) dst(%dma_wait3A_971 : memref<16x128xf32, #tpu.memory_space<vmem>>)
    %dma_wait3A_979 = arith.constant 0 : i32
    %dma_wait3A_980 = arith.constant 400 : i32
    %dma_wait3A_981 = arith.constant 0 : i32
    %dma_wait3A_982 = tpu.memref_slice %arg7[%dma_wait3A_980, %dma_wait3A_981] : memref<512x128xf32, #tpu.memory_space<vmem>> -> memref<16x128xf32, #tpu.memory_space<vmem>>
    %dma_wait3A_983 = arith.constant 0 : i32
    %dma_wait3A_984 = arith.constant 0 : i32
    %dma_wait3A_985 = tpu.memref_slice %arg2[%dma_wait3A_979, %dma_wait3A_983, %dma_wait3A_984] : memref<16384x26x128xf32, #tpu.memory_space<hbm>> -> memref<1x26x128xf32, #tpu.memory_space<hbm>>
    %dma_wait3A_986 = tpu.memref_squeeze %dma_wait3A_985 : memref<1x26x128xf32, #tpu.memory_space<hbm>> -> memref<26x128xf32, #tpu.memory_space<hbm>>
    %dma_wait3A_987 = arith.constant 0 : i32
    %dma_wait3A_988 = arith.constant 0 : i32
    %dma_wait3A_989 = tpu.memref_slice %dma_wait3A_986[%dma_wait3A_987, %dma_wait3A_988] : memref<26x128xf32, #tpu.memory_space<hbm>> -> memref<26x128xf32, #tpu.memory_space<hbm>>
    tpu.wait_indirect_dma semaphore(%arg9 : memref<!tpu.dma_semaphore, #tpu.memory_space<semaphore_mem>>) src(%dma_wait3A_989 : memref<26x128xf32, #tpu.memory_space<hbm>>) dst(%dma_wait3A_982 : memref<16x128xf32, #tpu.memory_space<vmem>>)
    %dma_wait3A_990 = arith.constant 0 : i32
    %dma_wait3A_991 = arith.constant 416 : i32
    %dma_wait3A_992 = arith.constant 0 : i32
    %dma_wait3A_993 = tpu.memref_slice %arg7[%dma_wait3A_991, %dma_wait3A_992] : memref<512x128xf32, #tpu.memory_space<vmem>> -> memref<16x128xf32, #tpu.memory_space<vmem>>
    %dma_wait3A_994 = arith.constant 0 : i32
    %dma_wait3A_995 = arith.constant 0 : i32
    %dma_wait3A_996 = tpu.memref_slice %arg2[%dma_wait3A_990, %dma_wait3A_994, %dma_wait3A_995] : memref<16384x26x128xf32, #tpu.memory_space<hbm>> -> memref<1x26x128xf32, #tpu.memory_space<hbm>>
    %dma_wait3A_997 = tpu.memref_squeeze %dma_wait3A_996 : memref<1x26x128xf32, #tpu.memory_space<hbm>> -> memref<26x128xf32, #tpu.memory_space<hbm>>
    %dma_wait3A_998 = arith.constant 0 : i32
    %dma_wait3A_999 = arith.constant 0 : i32
    %dma_wait3A_1000 = tpu.memref_slice %dma_wait3A_997[%dma_wait3A_998, %dma_wait3A_999] : memref<26x128xf32, #tpu.memory_space<hbm>> -> memref<26x128xf32, #tpu.memory_space<hbm>>
    tpu.wait_indirect_dma semaphore(%arg10 : memref<!tpu.dma_semaphore, #tpu.memory_space<semaphore_mem>>) src(%dma_wait3A_1000 : memref<26x128xf32, #tpu.memory_space<hbm>>) dst(%dma_wait3A_993 : memref<16x128xf32, #tpu.memory_space<vmem>>)
    %dma_wait3A_1001 = arith.constant 0 : i32
    %dma_wait3A_1002 = arith.constant 432 : i32
    %dma_wait3A_1003 = arith.constant 0 : i32
    %dma_wait3A_1004 = tpu.memref_slice %arg7[%dma_wait3A_1002, %dma_wait3A_1003] : memref<512x128xf32, #tpu.memory_space<vmem>> -> memref<16x128xf32, #tpu.memory_space<vmem>>
    %dma_wait3A_1005 = arith.constant 0 : i32
    %dma_wait3A_1006 = arith.constant 0 : i32
    %dma_wait3A_1007 = tpu.memref_slice %arg2[%dma_wait3A_1001, %dma_wait3A_1005, %dma_wait3A_1006] : memref<16384x26x128xf32, #tpu.memory_space<hbm>> -> memref<1x26x128xf32, #tpu.memory_space<hbm>>
    %dma_wait3A_1008 = tpu.memref_squeeze %dma_wait3A_1007 : memref<1x26x128xf32, #tpu.memory_space<hbm>> -> memref<26x128xf32, #tpu.memory_space<hbm>>
    %dma_wait3A_1009 = arith.constant 0 : i32
    %dma_wait3A_1010 = arith.constant 0 : i32
    %dma_wait3A_1011 = tpu.memref_slice %dma_wait3A_1008[%dma_wait3A_1009, %dma_wait3A_1010] : memref<26x128xf32, #tpu.memory_space<hbm>> -> memref<26x128xf32, #tpu.memory_space<hbm>>
    tpu.wait_indirect_dma semaphore(%arg11 : memref<!tpu.dma_semaphore, #tpu.memory_space<semaphore_mem>>) src(%dma_wait3A_1011 : memref<26x128xf32, #tpu.memory_space<hbm>>) dst(%dma_wait3A_1004 : memref<16x128xf32, #tpu.memory_space<vmem>>)
    %dma_wait3A_1012 = arith.constant 0 : i32
    %dma_wait3A_1013 = arith.constant 448 : i32
    %dma_wait3A_1014 = arith.constant 0 : i32
    %dma_wait3A_1015 = tpu.memref_slice %arg7[%dma_wait3A_1013, %dma_wait3A_1014] : memref<512x128xf32, #tpu.memory_space<vmem>> -> memref<16x128xf32, #tpu.memory_space<vmem>>
    %dma_wait3A_1016 = arith.constant 0 : i32
    %dma_wait3A_1017 = arith.constant 0 : i32
    %dma_wait3A_1018 = tpu.memref_slice %arg2[%dma_wait3A_1012, %dma_wait3A_1016, %dma_wait3A_1017] : memref<16384x26x128xf32, #tpu.memory_space<hbm>> -> memref<1x26x128xf32, #tpu.memory_space<hbm>>
    %dma_wait3A_1019 = tpu.memref_squeeze %dma_wait3A_1018 : memref<1x26x128xf32, #tpu.memory_space<hbm>> -> memref<26x128xf32, #tpu.memory_space<hbm>>
    %dma_wait3A_1020 = arith.constant 0 : i32
    %dma_wait3A_1021 = arith.constant 0 : i32
    %dma_wait3A_1022 = tpu.memref_slice %dma_wait3A_1019[%dma_wait3A_1020, %dma_wait3A_1021] : memref<26x128xf32, #tpu.memory_space<hbm>> -> memref<26x128xf32, #tpu.memory_space<hbm>>
    tpu.wait_indirect_dma semaphore(%arg8 : memref<!tpu.dma_semaphore, #tpu.memory_space<semaphore_mem>>) src(%dma_wait3A_1022 : memref<26x128xf32, #tpu.memory_space<hbm>>) dst(%dma_wait3A_1015 : memref<16x128xf32, #tpu.memory_space<vmem>>)
    %dma_wait3A_1023 = arith.constant 0 : i32
    %dma_wait3A_1024 = arith.constant 464 : i32
    %dma_wait3A_1025 = arith.constant 0 : i32
    %dma_wait3A_1026 = tpu.memref_slice %arg7[%dma_wait3A_1024, %dma_wait3A_1025] : memref<512x128xf32, #tpu.memory_space<vmem>> -> memref<16x128xf32, #tpu.memory_space<vmem>>
    %dma_wait3A_1027 = arith.constant 0 : i32
    %dma_wait3A_1028 = arith.constant 0 : i32
    %dma_wait3A_1029 = tpu.memref_slice %arg2[%dma_wait3A_1023, %dma_wait3A_1027, %dma_wait3A_1028] : memref<16384x26x128xf32, #tpu.memory_space<hbm>> -> memref<1x26x128xf32, #tpu.memory_space<hbm>>
    %dma_wait3A_1030 = tpu.memref_squeeze %dma_wait3A_1029 : memref<1x26x128xf32, #tpu.memory_space<hbm>> -> memref<26x128xf32, #tpu.memory_space<hbm>>
    %dma_wait3A_1031 = arith.constant 0 : i32
    %dma_wait3A_1032 = arith.constant 0 : i32
    %dma_wait3A_1033 = tpu.memref_slice %dma_wait3A_1030[%dma_wait3A_1031, %dma_wait3A_1032] : memref<26x128xf32, #tpu.memory_space<hbm>> -> memref<26x128xf32, #tpu.memory_space<hbm>>
    tpu.wait_indirect_dma semaphore(%arg9 : memref<!tpu.dma_semaphore, #tpu.memory_space<semaphore_mem>>) src(%dma_wait3A_1033 : memref<26x128xf32, #tpu.memory_space<hbm>>) dst(%dma_wait3A_1026 : memref<16x128xf32, #tpu.memory_space<vmem>>)
    %dma_wait3A_1034 = arith.constant 0 : i32
    %dma_wait3A_1035 = arith.constant 480 : i32
    %dma_wait3A_1036 = arith.constant 0 : i32
    %dma_wait3A_1037 = tpu.memref_slice %arg7[%dma_wait3A_1035, %dma_wait3A_1036] : memref<512x128xf32, #tpu.memory_space<vmem>> -> memref<16x128xf32, #tpu.memory_space<vmem>>
    %dma_wait3A_1038 = arith.constant 0 : i32
    %dma_wait3A_1039 = arith.constant 0 : i32
    %dma_wait3A_1040 = tpu.memref_slice %arg2[%dma_wait3A_1034, %dma_wait3A_1038, %dma_wait3A_1039] : memref<16384x26x128xf32, #tpu.memory_space<hbm>> -> memref<1x26x128xf32, #tpu.memory_space<hbm>>
    %dma_wait3A_1041 = tpu.memref_squeeze %dma_wait3A_1040 : memref<1x26x128xf32, #tpu.memory_space<hbm>> -> memref<26x128xf32, #tpu.memory_space<hbm>>
    %dma_wait3A_1042 = arith.constant 0 : i32
    %dma_wait3A_1043 = arith.constant 0 : i32
    %dma_wait3A_1044 = tpu.memref_slice %dma_wait3A_1041[%dma_wait3A_1042, %dma_wait3A_1043] : memref<26x128xf32, #tpu.memory_space<hbm>> -> memref<26x128xf32, #tpu.memory_space<hbm>>
    tpu.wait_indirect_dma semaphore(%arg10 : memref<!tpu.dma_semaphore, #tpu.memory_space<semaphore_mem>>) src(%dma_wait3A_1044 : memref<26x128xf32, #tpu.memory_space<hbm>>) dst(%dma_wait3A_1037 : memref<16x128xf32, #tpu.memory_space<vmem>>)
    %dma_wait3A_1045 = arith.constant 0 : i32
    %dma_wait3A_1046 = arith.constant 496 : i32
    %dma_wait3A_1047 = arith.constant 0 : i32
    %dma_wait3A_1048 = tpu.memref_slice %arg7[%dma_wait3A_1046, %dma_wait3A_1047] : memref<512x128xf32, #tpu.memory_space<vmem>> -> memref<16x128xf32, #tpu.memory_space<vmem>>
    %dma_wait3A_1049 = arith.constant 0 : i32
    %dma_wait3A_1050 = arith.constant 0 : i32
    %dma_wait3A_1051 = tpu.memref_slice %arg2[%dma_wait3A_1045, %dma_wait3A_1049, %dma_wait3A_1050] : memref<16384x26x128xf32, #tpu.memory_space<hbm>> -> memref<1x26x128xf32, #tpu.memory_space<hbm>>
    %dma_wait3A_1052 = tpu.memref_squeeze %dma_wait3A_1051 : memref<1x26x128xf32, #tpu.memory_space<hbm>> -> memref<26x128xf32, #tpu.memory_space<hbm>>
    %dma_wait3A_1053 = arith.constant 0 : i32
    %dma_wait3A_1054 = arith.constant 0 : i32
    %dma_wait3A_1055 = tpu.memref_slice %dma_wait3A_1052[%dma_wait3A_1053, %dma_wait3A_1054] : memref<26x128xf32, #tpu.memory_space<hbm>> -> memref<26x128xf32, #tpu.memory_space<hbm>>
    tpu.wait_indirect_dma semaphore(%arg11 : memref<!tpu.dma_semaphore, #tpu.memory_space<semaphore_mem>>) src(%dma_wait3A_1055 : memref<26x128xf32, #tpu.memory_space<hbm>>) dst(%dma_wait3A_1048 : memref<16x128xf32, #tpu.memory_space<vmem>>)
    "tpu.region"() ({
      %run_scoped3A = tpu.sem_alloc : memref<!tpu.dma_semaphore, #tpu.memory_space<semaphore_mem>>
      %dma_start3A_1056 = arith.constant 0 : i32
      %dma_start3A_1057 = tpu.memref_slice %arg4[%mul3A_2, %dma_start3A_1056] : memref<16384x128xf32, #tpu.memory_space<hbm>> -> memref<512x128xf32, #tpu.memory_space<hbm>>
      %dma_start3A_1058 = arith.constant 0 : i32
      %dma_start3A_1059 = tpu.memref_slice %arg4[%mul3A_2, %dma_start3A_1058] : memref<16384x128xf32, #tpu.memory_space<hbm>> -> memref<512x128xf32, #tpu.memory_space<hbm>>
      tpu.enqueue_dma source(%arg7 : memref<512x128xf32, #tpu.memory_space<vmem>>) target(%dma_start3A_1059 : memref<512x128xf32, #tpu.memory_space<hbm>>) target_semaphore(%run_scoped3A : memref<!tpu.dma_semaphore, #tpu.memory_space<semaphore_mem>>)
      %dma_wait3A_1060 = arith.constant 0 : i32
      %dma_wait3A_1061 = tpu.memref_slice %arg4[%mul3A_2, %dma_wait3A_1060] : memref<16384x128xf32, #tpu.memory_space<hbm>> -> memref<512x128xf32, #tpu.memory_space<hbm>>
      %dma_wait3A_1062 = arith.constant 0 : i32
      %dma_wait3A_1063 = tpu.memref_slice %arg4[%mul3A_2, %dma_wait3A_1062] : memref<16384x128xf32, #tpu.memory_space<hbm>> -> memref<512x128xf32, #tpu.memory_space<hbm>>
      tpu.wait_dma2 semaphore(%run_scoped3A : memref<!tpu.dma_semaphore, #tpu.memory_space<semaphore_mem>>) src(%arg7 : memref<512x128xf32, #tpu.memory_space<vmem>>) dst(%dma_wait3A_1063 : memref<512x128xf32, #tpu.memory_space<hbm>>)
      tpu.yield
    }) : () -> ()
    return
  }
}

</mosaic_0001>

<sc_bundles>
// kernel: kernel.3.cloned.1.call-start
scs
__scs_entry_jumppad:
0x0: {  	(pc) =	sbr.rel $0x88, $3  }
0x1: {  	(tag) =	ssettag $0x0;
	lr =	simm.s32 $0x1  }
0x2: {  	[smem:$0x3F9F] =	sst lr;
	_ =	strace $0xD0000000  }
0x3: {  	_ = 	snop  }
0x4: {  	_ = 	snop  }
0x5: {  	_ = 	snop  }
0x6: {  	_ = 	snop  }
0x7: {  	_ = 	snop  }
__scs_overlays_trampoline_lowered:
0x8: {  	[smem:$0x3FAE] =	sst s0  }
0x9: {  	[smem:$0x3FAF] =	sst s1  }
0xa: {  	[smem:$0x3FB0] =	sst s2  }
0xb: {  	[smem:$0x3FB1] =	sst s3  }
0xc: {  	[smem:$0x3FB2] =	sst s4  }
0xd: {  	[smem:$0x3FB3] =	sst s5  }
0xe: {  	[smem:$0x3FB4] =	sst s6  }
0xf: {  	[smem:$0x3FB5] =	sst s7  }
0x10: {  	[smem:$0x3FB6] =	sst s8  }
0x11: {  	[smem:$0x3FB7] =	sst s9;
	s0 =	simm.s32 @!p0 $0x0  }
0x12: {  	s1 =	sld [smem:$0x3F9D];
	s0 =	simm.s32 @p0 $0x1  }
0x13: {  	[smem:$0x3FB8] =	sst s0;
	s0 =	simm.s32 @!p1 $0x0  }
0x14: {  	s2 =	sld [smem:$0x3F9C];
	s0 =	simm.s32 @p1 $0x1  }
0x15: {  	[smem:$0x3FB9] =	sst s0;
	s0 =	simm.s32 @!p2 $0x0  }
0x16: {  	s3 =	sld [smem:$0x3FDB];
	s0 =	simm.s32 @p2 $0x1  }
0x17: {  	s4 =	simm.s32 $0x1BF5;
	[smem:$0x3FBB] =	sst s0  }
0x18: {  	s0 =	sld [smem:$0x3F9E];
	_ =	swait.ge [sflag:s4], $0x0  }
0x19: {  	s7 =	sld [smem:$0x3F9F]  }
0x1a: {  	s8 =	sadd.s32 $0xFFFFE003, lr  }
0x1b: {  	s9 =	sadd.s32 $0xFFFFFEF7, lr;
	s5 =	simm.s32 $0xFFFFFFFF;
	p2 =	slt.u32 s8, $0xFFFFF086  }
0x1c: {  	p1 =	slt.u32 s9, $0xF7A;
	s5 =	simm.s32 @!p2 $0x0  }
0x1d: {  	s5 =	simm.s32 @p1 $0x1;
	p0 =	seq.s32 s7, s2  }
0x1e: {  	s7 =	smul.u32 @!p0 $0xF7A, s2;
	p2 =	seq.s32 @!p0 s5, $0x0  }
0x1f: {  	s9 =	smul.u32 $0xF7A, s1;
	s8 =	simm.s32 @!p0 $0x1BF5;
	p2 =	por !p2, p0  }
0x20: {  	[sflag:s8] =	ssyncset.s32 @!p0 $0xFFFFF086;
	s6 =	sadd.s32 @!p0 s3, s7;
	s7 =	simm.s32 @!p0 $0x108  }
0x21: {  	s3 =	sadd.s32 s3, s9;
	s6 =	sadd.s32 @!p0 $0x88, s6;
	s7 =	simm.s32 @p2 $0x1082  }
0x22: {  	[simem:s7], [sflag:s8] =	dma.local @!p0 [hbm:s6], $0xF7A  }
0x23: {  	s9 =	sor.u32 $0xD0000000, s2;
	s6 =	simm.s32 $0x108;
	_ =	swait.ge @!p0 [sflag:s8], $0x0  }
0x24: {  	s3 =	sadd.s32 $0x88, s3;
	s6 =	simm.s32 @!p1 $0x1082;
	[sflag:s4] =	ssyncset.s32 $0xFFFFF086  }
0x25: {  	[simem:s6], [sflag:s4] =	dma.local [hbm:s3], $0xF7A  }
0x26: {  	[smem:$0x3F9F] =	sst s1;
	(tag) =	ssettag s2;
	_ =	strace s9  }
0x27: {  	s1 =	sld [smem:$0x3FAF]  }
0x28: {  	s2 =	sld [smem:$0x3FB0]  }
0x29: {  	s4 =	sld [smem:$0x3FB2]  }
0x2a: {  	p0 =	seq.s32 s5, $0x0;
	s5 =	sld [smem:$0x3FB3]  }
0x2b: {  	s6 =	sld [smem:$0x3FB4]  }
0x2c: {  	s7 =	sld [smem:$0x3FB5]  }
0x2d: {  	s3 =	simm.s32 $0x108;
	s8 =	sld [smem:$0x3FB6]  }
0x2e: {  	s3 =	simm.s32 @!p0 $0x1082;
	s9 =	sld [smem:$0x3FB7]  }
0x2f: {  	lr =	sadd.s32 s0, s3;
	s0 =	sld [smem:$0x3FAE]  }
0x30: {  	s3 =	sld [smem:$0x3FB1]  }
0x31: {  	[smem:$0x3FBA] =	sst s10  }
0x32: {  	s10 =	sld [smem:$0x3FB8];
	_ =	sdelay $0x3  }
0x33: {  	p0 =	seq.s32 s10, $0x1;
	s10 =	sld [smem:$0x3FBA];
	_ =	sdelay $0x3  }
0x34: {  	[smem:$0x3FBA] =	sst s10  }
0x35: {  	s10 =	sld [smem:$0x3FB9];
	_ =	sdelay $0x3  }
0x36: {  	p1 =	seq.s32 s10, $0x1;
	s10 =	sld [smem:$0x3FBA];
	_ =	sdelay $0x3  }
0x37: {  	[smem:$0x3FBA] =	sst s10  }
0x38: {  	s10 =	sld [smem:$0x3FBB]  }
0x39: {  	_ = 	snop;
	(pc) =	sbr.ind lr, $3  }
0x3a: {  	_ = 	snop  }
0x3b: {  	_ = 	snop  }
0x3c: {  	p2 =	seq.s32 s10, $0x1;
	s10 =	sld [smem:$0x3FBA]  }
0x3d: {  	_ =	shalt  }
0x3e: {  	_ =	shalt  }
0x3f: {  	_ =	shalt  }
0x40: {  	_ =	shalt  }
0x41: {  	_ =	shalt  }
0x42: {  	_ =	shalt  }
0x43: {  	_ =	shalt  }
0x44: {  	_ =	shalt  }
0x45: {  	_ =	shalt  }
0x46: {  	_ =	shalt  }
0x47: {  	_ =	shalt  }
0x48: {  	_ =	shalt  }
0x49: {  	_ =	shalt  }
0x4a: {  	_ =	shalt  }
0x4b: {  	_ =	shalt  }
0x4c: {  	_ =	shalt  }
0x4d: {  	_ =	shalt  }
0x4e: {  	_ =	shalt  }
0x4f: {  	_ =	shalt  }
0x50: {  	_ =	shalt  }
0x51: {  	_ =	shalt  }
0x52: {  	_ =	shalt  }
0x53: {  	_ =	shalt  }
0x54: {  	_ =	shalt  }
0x55: {  	_ =	shalt  }
0x56: {  	_ =	shalt  }
0x57: {  	_ =	shalt  }
0x58: {  	_ =	shalt  }
0x59: {  	_ =	shalt  }
0x5a: {  	_ =	shalt  }
0x5b: {  	_ =	shalt  }
0x5c: {  	_ =	shalt  }
0x5d: {  	_ =	shalt  }
0x5e: {  	_ =	shalt  }
0x5f: {  	_ =	shalt  }
0x60: {  	_ =	shalt  }
0x61: {  	_ =	shalt  }
0x62: {  	_ =	shalt  }
0x63: {  	_ =	shalt  }
0x64: {  	_ =	shalt  }
0x65: {  	_ =	shalt  }
0x66: {  	_ =	shalt  }
0x67: {  	_ =	shalt  }
0x68: {  	_ =	shalt  }
0x69: {  	_ =	shalt  }
0x6a: {  	_ =	shalt  }
0x6b: {  	_ =	shalt  }
0x6c: {  	_ =	shalt  }
0x6d: {  	_ =	shalt  }
0x6e: {  	_ =	shalt  }
0x6f: {  	_ =	shalt  }
0x70: {  	_ =	shalt  }
0x71: {  	_ =	shalt  }
0x72: {  	_ =	shalt  }
0x73: {  	_ =	shalt  }
0x74: {  	_ =	shalt  }
0x75: {  	_ =	shalt  }
0x76: {  	_ =	shalt  }
0x77: {  	_ =	shalt  }
0x78: {  	_ =	shalt  }
0x79: {  	_ =	shalt  }
0x7a: {  	_ =	shalt  }
0x7b: {  	_ =	shalt  }
0x7c: {  	_ =	shalt  }
0x7d: {  	_ =	shalt  }
0x7e: {  	_ =	shalt  }
0x7f: {  	_ =	shalt  }
0x80: {  	_ =	shalt  }
0x81: {  	_ =	shalt  }
0x82: {  	_ =	shalt  }
0x83: {  	_ =	shalt  }
0x84: {  	_ =	shalt  }
0x85: {  	_ =	shalt  }
0x86: {  	_ =	shalt  }
0x87: {  	_ =	shalt  }
.Lfunc_end0:
.L_simem_size_0:
called_computation_lowered:
.L_overlay_start_0:
0x88: {  	s2 =	sld [smem:$0x3FD9]  }
0x89: {  	s3 =	sld [smem:$0x3FFE];
	_ =	sdelay $0x1  }
0x8a: {  	s1 =	srdreg.scid  }
0x8b: {  	s0 =	sand.u32 $0x1, s1  }
0x8c: {  	s17 =	sshll.u32 s0, $0xA;
	s2 =	sadd.s32 s3, s2  }
0x8d: {  	s2 =	sadd.s32 s2, s17  }
0x8e: {  	[smem:$0x3FC6] =	sst s2  }
0x8f: {  	_ = 	snop  }
0x90: {  	s2 =	sld [smem:$0x3FC8]  }
0x91: {  	s18 =	sld [smem:$0x3FD0];
	(tm) =	ssettm $0x1  }
0x92: {  	s4 =	sld [smem:$0x3FFB];
	_ =	sdelay $0x3  }
0x93: {  	_ =	strace s4  }
0x94: {  	s4 =	sld [smem:$0x3FFC];
	_ =	sdelay $0x3  }
0x95: {  	_ =	strace s4  }
0x96: {  	s4 =	sld [smem:$0x3FFD];
	_ =	sdelay $0x3  }
0x97: {  	_ =	strace s4  }
0x98: {  	_ =	strace $0x8FFFFFFF  }
0x99: {  	s19 =	sld [smem:$0x3FDB];
	_ =	sdelay $0x1  }
0x9a: {  	s5 =	simm.s32 $_scs_section_size  }
0x9b: {  	s6 =	simm.s32 $_size__tile_overlayer_lowered;
	s7 =	simm.s32 $_tile_overlayer_lowered  }
0x9c: {  	s22 =	simm.s32 $0x1BFF;
	s21 =	sshll.u32 s7, $0x1;
	s4 =	sadd.s32 s5, s19  }
0x9d: {  	s8 =	simm.s32 $0x0;
	s20 =	sshll.u32 s6, $0x1;
	s6 =	sadd.s32 s21, s4  }
0x9e: {  	[timem:s8], [sflag:s22] =	dma.local [hbm:s6], s20  }
0x9f: {  	_ =	swait.ge [sflag:s22], s20  }
0xa0: {  	s5 =	ssub.s32 $0x0, s20;
	[sflag:s22] =	ssyncset.done $0x0  }
0xa1: {  	[sflag:s22] =	ssyncadd.s32 s5;
	_ =	sdelay $0x1  }
0xa2: {  	s23 =	simm.s32 $0x1B8B  }
0xa3: {  	_ =	swait.ge [sflag:s23], $0x1  }
0xa4: {  	[sflag:s23] =	ssyncset.done $0x0  }
0xa5: {  	s25 =	simm.s32 $0x1B8E;
	s24 =	sld [smem:$0x3FFE];
	[sflag:s23] =	ssyncadd.s32 $0xFFFFFFFF  }
0xa6: {  	s26 =	simm.s32 $execute0_lowered;
	[smem:$0x3FD2] =	sst s25  }
0xa7: {  	s6 =	sshll.u32 s26, $0x1;
	_ =	strace $0x80000046;
	[dreg:$0x1] =	wrdreg $0xFFFFFFFF  }
0xa8: {  	s28 =	simm.s32 $_size_execute0_lowered;
	s4 =	sadd.s32 s4, s6;
	[dreg:$0x0] =	wrdreg $0x0  }
0xa9: {  	s6 =	sshll.u32 s28, $0x1;
	[dreg:$0x2] =	wrdreg s4  }
0xaa: {  	[dreg:$0x3] =	wrdreg s6  }
0xab: {  	[dreg:$0x4] =	wrdreg $0xC0  }
0xac: {  	_ =	task [dreg:s8], $0x5FFFF  }
0xad: {  	[dreg:$0x1] =	wrdreg $0xFFFFFFFF  }
0xae: {  	[dreg:$0x0] =	wrdreg $0x60  }
0xaf: {  	[dreg:$0x2] =	wrdreg s24  }
0xb0: {  	[dreg:$0x3] =	wrdreg s2  }
0xb1: {  	[dreg:$0x4] =	wrdreg s18  }
0xb2: {  	[dreg:$0x5] =	wrdreg $0x9  }
0xb3: {  	_ =	task.clear_ibuf [dreg:s8], $0x6FFFF;
	_ =	strace $0x90000046  }
0xb4: {  	s29 =	simm.s32 $0x9;
	_ =	strace $0x80000048  }
0xb5: {  	_ =	swait.ge [sflag:s29], $0x1  }
0xb6: {  	[sflag:s29] =	ssyncadd.s32 $0xFFFFFFFF  }
0xb7: {  	_ =	strace $0x90000048  }
0xb8: {  	_ =	sfence  }
0xb9: {  	s30 =	sld [smem:$0x0];
	_ =	sdelay $0x2  }
0xba: {  	s31 =	sshll.u32 s1, $0xD;
	s1 =	sshrl.u32 s1, $0x2  }
0xbb: {  	s3 =	sand.u32 $0x4000, s31;
	s1 =	sadd.s32 s1, s30  }
0xbc: {  	s0 =	sor.u32 s3, s0;
	s1 =	sshll.u32 s1, $0x11  }
0xbd: {  	s0 =	sor.u32 s1, s0  }
0xbe: {  	s0 =	sadd.s32 $0x8F2B, s0  }
0xbf: {  	[sflag:s0] =	ssyncadd.remote.s32 $0x1  }
0xc0: {  	_ =	sfence.sel $0xFFFF  }
0xc1: {  	[dreg:$0x0] =	wrdreg $0xFFFFFFFF;
	(pc) =	sbr.abs _section_cstart, $3  }
0xc2: {  	[dreg:$0x1] =	wrdreg $0xFFFFFFFF  }
0xc3: {  	_ =	task.clear_ibuf [dreg:s8], $0x2FFFF;
	_ =	strace $0x9FFFFFFF  }
0xc4: {  	(tm) =	ssettm $0x7FFFFFFF  }
0xc5: {  	_ =	shalt  }
tec
execute0_lowered:
.L_overlay_start_1:
0x0: {  	(tag) =	ssettag $0x1  }
0x1: {  	s1 =	srdreg.scid  }
0x2: {  	s0 =	stileid.u32;
	s3 =	sand.u32 $0x1, s1  }
0x3: {  	s4 =	rddreg [dreg:$0x0];
	s9 =	sshll.u32 s0, $0xA;
	s2 =	sshll.u32 s3, $0x9  }
0x4: {  	s12 =	ssub.s32 $0x2, s3;
	s3 =	sadd.s32 $0x400, s4;
	s1 =	sor.u32 s2, s9  }
0x5: {  	v0 =	vlaneseq.u32;
	vm0 =	vmmov $0xffff;
	s14 =	sshrl.u32 s12, $0x1;
	s2 =	sor.u32 $0x10, s1;
	v1 =	vmov s1;
	s10 =	sor.u32 $0x30, s1  }
0x6: {  	v31 =	vmul.u32 $0x20, v0;
	s8 =	sor.u32 $0x40, s1;
	s11 =	sor.u32 $0x50, s1;
	s13 =	sor.u32 $0x60, s1;
	v0 =	vmov s2;
	v1 =	vshll.u32 v1, $0x5  }
0x7: {  	s9 =	sor.u32 $0x70, s1;
	s4 =	ssub.s32 s12, s14;
	s15 =	sor.u32 $0x80, s1;
	v3 =	vmov s10;
	v4 =	vmov s8;
	v5 =	vmov s11  }
0x8: {  	s16 =	sor.u32 $0x90, s1;
	s17 =	sor.u32 $0xA0, s1;
	s18 =	sor.u32 $0xB0, s1;
	v6 =	vmov s13;
	v7 =	vmov s9;
	v8 =	vmov s15  }
0x9: {  	s19 =	sor.u32 $0xC0, s1;
	s20 =	sor.u32 $0xD0, s1;
	s21 =	sor.u32 $0xE0, s1;
	v9 =	vmov s16;
	v10 =	vmov s17;
	v11 =	vmov s18  }
0xa: {  	s22 =	sor.u32 $0xF0, s1;
	s23 =	sor.u32 $0x110, s1;
	s12 =	sor.u32 $0x120, s1;
	v12 =	vmov s19;
	v13 =	vmov s20;
	v14 =	vmov s21  }
0xb: {  	s24 =	sor.u32 $0x140, s1;
	s25 =	sor.u32 $0x150, s1;
	v15 =	vmov s22;
	v17 =	vmov s23;
	v18 =	vmov s12  }
0xc: {  	v20 =	vmov s24;
	v21 =	vmov s25;
	v2 =	vshll.u32 v0, $0x5  }
0xd: {  	s6 =	rddreg [dreg:$0x1];
	v0 =	vor.u32 v31, v1;
	v3 =	vshll.u32 v3, $0x5;
	v4 =	vshll.u32 v4, $0x5  }
0xe: {  	s5 =	rddreg [dreg:$0x2];
	s26 =	simm.s32 $0x1A00;
	v5 =	vshll.u32 v5, $0x5;
	v6 =	vshll.u32 v6, $0x5;
	v7 =	vshll.u32 v7, $0x5  }
0xf: {  	s28 =	simm.s32 $0xFA00;
	s29 =	simm.s32 $0x1;
	s30 =	simm.s32 $0x2;
	v8 =	vshll.u32 v8, $0x5;
	v9 =	vshll.u32 v9, $0x5;
	v10 =	vshll.u32 v10, $0x5  }
0x10: {  	s31 =	simm.s32 $0x3;
	s0 =	simm.s32 $0xA00;
	s11 =	sor.u32 $0x100, s1;
	v11 =	vshll.u32 v11, $0x5;
	v12 =	vshll.u32 v12, $0x5;
	v13 =	vshll.u32 v13, $0x5  }
0x11: {  	s7 =	sor.u32 $0x20, s1;
	s14 =	sshll.u32 s1, $0x4;
	s13 =	sor.u32 $0x130, s1;
	v14 =	vshll.u32 v14, $0x5;
	v16 =	vmov s11;
	v15 =	vshll.u32 v15, $0x5  }
0x12: {  	s2 =	simm.s32 $0x0;
	s15 =	sor.u32 $0x160, s1;
	s16 =	sor.u32 $0x170, s1;
	v17 =	vshll.u32 v17, $0x5;
	v19 =	vmov s13;
	v18 =	vshll.u32 v18, $0x5  }
0x13: {  	s5 =	sadd.s32 s5, s14;
	s9 =	sor.u32 $0x180, s1;
	s14 =	sor.u32 $0x1A0, s1;
	v20 =	vshll.u32 v20, $0x5;
	v22 =	vmov s15;
	v21 =	vshll.u32 v21, $0x5  }
0x14: {  	s17 =	sor.u32 $0x1C0, s1;
	s20 =	sor.u32 $0x1D0, s1;
	s23 =	sor.u32 $0x1E0, s1;
	v23 =	vmov s16;
	v24 =	vmov s9;
	v26 =	vmov s14  }
0x15: {  	s10 =	sshrl.u32 s1, $0x3;
	s18 =	simm.s32 $0x2200;
	s19 =	simm.s32 $0x2A00;
	v28 =	vmov s17;
	v29 =	vmov s20;
	v30 =	vmov s23  }
0x16: {  	s21 =	simm.s32 $0x3200;
	[smem:$0x7FF] =	sst s2;
	s6 =	sadd.s32 s6, s10;
	v1 =	vor.u32 v31, v2;
	v2 =	vmov s7;
	v3 =	vor.u32 v31, v3  }
0x17: {  	s22 =	simm.s32 $0x3A00;
	_ =	strace $0x80000047;
	v4 =	vor.u32 v31, v4;
	v5 =	vor.u32 v31, v5;
	[dreg:$0x4] =	wrdreg s6;
	v6 =	vor.u32 v31, v6  }
0x18: {  	s24 =	simm.s32 $0x4200;
	s4 =	smax.u32 s4, $0x1;
	v7 =	vor.u32 v31, v7;
	v8 =	vor.u32 v31, v8;
	v9 =	vor.u32 v31, v9;
	[dreg:$0x5] =	wrdreg s5  }
0x19: {  	s25 =	simm.s32 $0x4A00;
	s11 =	simm.s32 $0x1200;
	v10 =	vor.u32 v31, v10;
	v11 =	vor.u32 v31, v11;
	v12 =	vor.u32 v31, v12;
	[dreg:$0x6] =	wrdreg s0  }
0x1a: {  	s8 =	simm.s32 $0x6200;
	s12 =	simm.s32 $0x8200;
	v13 =	vor.u32 v31, v13;
	v14 =	vor.u32 v31, v14;
	v16 =	vshll.u32 v16, $0x5;
	[dreg:$0x7] =	wrdreg s11  }
0x1b: {  	s10 =	sor.u32 $0x190, s1;
	s9 =	simm.s32 $0x6A00;
	v15 =	vor.u32 v31, v15;
	[dreg:$0x8] =	wrdreg s26;
	v17 =	vor.u32 v31, v17;
	v19 =	vshll.u32 v19, $0x5  }
0x1c: {  	s13 =	simm.s32 $0x8A00;
	s14 =	simm.s32 $0x9200;
	[dreg:$0x9] =	wrdreg s18;
	v18 =	vor.u32 v31, v18;
	v20 =	vor.u32 v31, v20;
	v22 =	vshll.u32 v22, $0x5  }
0x1d: {  	s15 =	simm.s32 $0x9A00;
	s16 =	simm.s32 $0xA200;
	[dreg:$0xa] =	wrdreg s19;
	v21 =	vor.u32 v31, v21;
	v23 =	vshll.u32 v23, $0x5;
	v25 =	vmov s10  }
0x1e: {  	s17 =	simm.s32 $0xAA00;
	s20 =	simm.s32 $0xC200;
	[dreg:$0xb] =	wrdreg s21;
	v24 =	vshll.u32 v24, $0x5;
	v26 =	vshll.u32 v26, $0x5;
	v28 =	vshll.u32 v28, $0x5  }
0x1f: {  	s23 =	simm.s32 $0xDA00;
	s0 =	sor.u32 $0x1B0, s1;
	[dreg:$0xc] =	wrdreg s22;
	v29 =	vshll.u32 v29, $0x5;
	v30 =	vshll.u32 v30, $0x5;
	v2 =	vshll.u32 v2, $0x5  }
0x20: {  	s1 =	sor.u32 $0x1F0, s1;
	[dreg:$0xd] =	wrdreg s24;
	s5 =	simm.s32 $0x5;
	v16 =	vor.u32 v31, v16;
	v19 =	vor.u32 v31, v19;
	v22 =	vor.u32 v31, v22  }
0x21: {  	[dreg:$0xe] =	wrdreg s25;
	s26 =	simm.s32 $0x5200;
	s6 =	simm.s32 $0x200;
	v23 =	vor.u32 v31, v23;
	v25 =	vshll.u32 v25, $0x5;
	v24 =	vor.u32 v31, v24  }
0x22: {  	s7 =	simm.s32 $0x5A00;
	s10 =	simm.s32 $0x7200;
	s11 =	simm.s32 $0x7A00;
	v27 =	vmov s0;
	v26 =	vor.u32 v31, v26;
	v28 =	vor.u32 v31, v28  }
0x23: {  	s18 =	simm.s32 $0xB200;
	s19 =	simm.s32 $0xBA00;
	s21 =	simm.s32 $0xCA00;
	v32 =	vmov s1;
	v29 =	vor.u32 v31, v29;
	v30 =	vor.u32 v31, v30  }
0x24: {  	s22 =	simm.s32 $0xD200;
	s24 =	simm.s32 $0xE200;
	s25 =	simm.s32 $0xEA00;
	v2 =	vor.u32 v31, v2;
	v27 =	vshll.u32 v27, $0x5;
	v32 =	vshll.u32 v32, $0x5  }
0x25: {  	[dreg:$0xf] =	wrdreg s26;
	s26 =	simm.s32 $0xF200;
	s1 =	simm.s32 $0x4;
	v25 =	vor.u32 v31, v25;
	v27 =	vor.u32 v31, v27;
	v31 =	vor.u32 v31, v32  }
.LBB2_1:
0x26: {  	s0 =	rddreg [dreg:$0x4]  }
0x27: {  	[tilespmem:s2], [sflag:$0x5] =	stream.linear.gather [hbm4b:s0+s2], $0x200, $0x38;
	[tilespmem:$0x10200] =	vst v63  }
0x28: {  	_ =	swait.ge [sflag:s5], $0x200  }
0x29: {  	[sflag:s5] =	ssyncset.done $0x0  }
0x2a: {  	[sflag:s5] =	ssyncadd.s32 $0xFFFFFE00  }
0x2b: {  	v32 =	vld [tilespmem:$0x0];
	_ =	sdelay $0x4  }
0x2c: {  	v32 =	vadd.s32 v0, v32;
	_ =	sdelay $0x4  }
0x2d: {  	[tilespmem:s6], [sflag:$0x1] =	stream.indirect_vreg.gather [hbm4b:s3+s2], $0x80, v32, vm0, $0xb8;
	[tilespmem:$0x10200] =	vst v63  }
0x2e: {  	v32 =	vld [tilespmem:$0x10];
	_ =	sdelay $0x4  }
0x2f: {  	v32 =	vadd.s32 v1, v32;
	_ =	sdelay $0x3  }
0x30: {  	s0 =	rddreg [dreg:$0x6]  }
0x31: {  	[tilespmem:s0], [sflag:$0x2] =	stream.indirect_vreg.gather [hbm4b:s3+s2], $0x80, v32, vm0, $0xb8;
	[tilespmem:$0x10200] =	vst v63  }
0x32: {  	v32 =	vld [tilespmem:$0x20];
	_ =	sdelay $0x4  }
0x33: {  	v32 =	vadd.s32 v2, v32;
	_ =	sdelay $0x3  }
0x34: {  	s0 =	rddreg [dreg:$0x7]  }
0x35: {  	[tilespmem:s0], [sflag:$0x3] =	stream.indirect_vreg.gather [hbm4b:s3+s2], $0x80, v32, vm0, $0xb8;
	[tilespmem:$0x10200] =	vst v63  }
0x36: {  	v32 =	vld [tilespmem:$0x30];
	_ =	sdelay $0x4  }
0x37: {  	v32 =	vadd.s32 v3, v32;
	_ =	sdelay $0x3  }
0x38: {  	s0 =	rddreg [dreg:$0x8]  }
0x39: {  	[tilespmem:s0], [sflag:$0x4] =	stream.indirect_vreg.gather [hbm4b:s3+s2], $0x80, v32, vm0, $0xb8;
	[tilespmem:$0x10200] =	vst v63  }
0x3a: {  	v32 =	vld [tilespmem:$0x40];
	_ =	sdelay $0x4  }
0x3b: {  	v32 =	vadd.s32 v4, v32;
	_ =	sdelay $0x3  }
0x3c: {  	s0 =	rddreg [dreg:$0x9]  }
0x3d: {  	[tilespmem:s0], [sflag:$0x1] =	stream.indirect_vreg.gather [hbm4b:s3+s2], $0x80, v32, vm0, $0xb8;
	[tilespmem:$0x10200] =	vst v63  }
0x3e: {  	v32 =	vld [tilespmem:$0x50];
	_ =	sdelay $0x4  }
0x3f: {  	v32 =	vadd.s32 v5, v32;
	_ =	sdelay $0x3  }
0x40: {  	s0 =	rddreg [dreg:$0xa]  }
0x41: {  	[tilespmem:s0], [sflag:$0x2] =	stream.indirect_vreg.gather [hbm4b:s3+s2], $0x80, v32, vm0, $0xb8;
	[tilespmem:$0x10200] =	vst v63  }
0x42: {  	v32 =	vld [tilespmem:$0x60];
	_ =	sdelay $0x4  }
0x43: {  	v32 =	vadd.s32 v6, v32;
	_ =	sdelay $0x3  }
0x44: {  	s0 =	rddreg [dreg:$0xb]  }
0x45: {  	[tilespmem:s0], [sflag:$0x3] =	stream.indirect_vreg.gather [hbm4b:s3+s2], $0x80, v32, vm0, $0xb8;
	[tilespmem:$0x10200] =	vst v63  }
0x46: {  	v32 =	vld [tilespmem:$0x70];
	_ =	sdelay $0x4  }
0x47: {  	v32 =	vadd.s32 v7, v32;
	_ =	sdelay $0x3  }
0x48: {  	s0 =	rddreg [dreg:$0xc]  }
0x49: {  	[tilespmem:s0], [sflag:$0x4] =	stream.indirect_vreg.gather [hbm4b:s3+s2], $0x80, v32, vm0, $0xb8;
	[tilespmem:$0x10200] =	vst v63  }
0x4a: {  	v32 =	vld [tilespmem:$0x80];
	_ =	sdelay $0x4  }
0x4b: {  	v32 =	vadd.s32 v8, v32;
	_ =	sdelay $0x3  }
0x4c: {  	s0 =	rddreg [dreg:$0xd]  }
0x4d: {  	[tilespmem:s0], [sflag:$0x1] =	stream.indirect_vreg.gather [hbm4b:s3+s2], $0x80, v32, vm0, $0xb8;
	[tilespmem:$0x10200] =	vst v63  }
0x4e: {  	v32 =	vld [tilespmem:$0x90];
	_ =	sdelay $0x4  }
0x4f: {  	v32 =	vadd.s32 v9, v32;
	_ =	sdelay $0x3  }
0x50: {  	s0 =	rddreg [dreg:$0xe]  }
0x51: {  	[tilespmem:s0], [sflag:$0x2] =	stream.indirect_vreg.gather [hbm4b:s3+s2], $0x80, v32, vm0, $0xb8;
	[tilespmem:$0x10200] =	vst v63  }
0x52: {  	v32 =	vld [tilespmem:$0xA0];
	_ =	sdelay $0x4  }
0x53: {  	v32 =	vadd.s32 v10, v32;
	_ =	sdelay $0x3  }
0x54: {  	s0 =	rddreg [dreg:$0xf]  }
0x55: {  	[tilespmem:s0], [sflag:$0x3] =	stream.indirect_vreg.gather [hbm4b:s3+s2], $0x80, v32, vm0, $0xb8;
	[tilespmem:$0x10200] =	vst v63  }
0x56: {  	v32 =	vld [tilespmem:$0xB0];
	_ =	sdelay $0x4  }
0x57: {  	v32 =	vadd.s32 v11, v32;
	_ =	sdelay $0x4  }
0x58: {  	[tilespmem:s7], [sflag:$0x4] =	stream.indirect_vreg.gather [hbm4b:s3+s2], $0x80, v32, vm0, $0xb8;
	[tilespmem:$0x10200] =	vst v63  }
0x59: {  	v32 =	vld [tilespmem:$0xC0];
	_ =	sdelay $0x4  }
0x5a: {  	v32 =	vadd.s32 v12, v32;
	_ =	sdelay $0x4  }
0x5b: {  	[tilespmem:s8], [sflag:$0x1] =	stream.indirect_vreg.gather [hbm4b:s3+s2], $0x80, v32, vm0, $0xb8;
	[tilespmem:$0x10200] =	vst v63  }
0x5c: {  	v32 =	vld [tilespmem:$0xD0];
	_ =	sdelay $0x4  }
0x5d: {  	v32 =	vadd.s32 v13, v32;
	_ =	sdelay $0x4  }
0x5e: {  	[tilespmem:s9], [sflag:$0x2] =	stream.indirect_vreg.gather [hbm4b:s3+s2], $0x80, v32, vm0, $0xb8;
	[tilespmem:$0x10200] =	vst v63  }
0x5f: {  	v32 =	vld [tilespmem:$0xE0];
	_ =	sdelay $0x4  }
0x60: {  	v32 =	vadd.s32 v14, v32;
	_ =	sdelay $0x4  }
0x61: {  	[tilespmem:s10], [sflag:$0x3] =	stream.indirect_vreg.gather [hbm4b:s3+s2], $0x80, v32, vm0, $0xb8;
	[tilespmem:$0x10200] =	vst v63  }
0x62: {  	v32 =	vld [tilespmem:$0xF0];
	_ =	sdelay $0x4  }
0x63: {  	v32 =	vadd.s32 v15, v32;
	_ =	sdelay $0x4  }
0x64: {  	[tilespmem:s11], [sflag:$0x4] =	stream.indirect_vreg.gather [hbm4b:s3+s2], $0x80, v32, vm0, $0xb8;
	[tilespmem:$0x10200] =	vst v63  }
0x65: {  	v32 =	vld [tilespmem:$0x100];
	_ =	sdelay $0x4  }
0x66: {  	v32 =	vadd.s32 v16, v32;
	_ =	sdelay $0x4  }
0x67: {  	[tilespmem:s12], [sflag:$0x1] =	stream.indirect_vreg.gather [hbm4b:s3+s2], $0x80, v32, vm0, $0xb8;
	[tilespmem:$0x10200] =	vst v63  }
0x68: {  	v32 =	vld [tilespmem:$0x110];
	_ =	sdelay $0x4  }
0x69: {  	v32 =	vadd.s32 v17, v32;
	_ =	sdelay $0x4  }
0x6a: {  	[tilespmem:s13], [sflag:$0x2] =	stream.indirect_vreg.gather [hbm4b:s3+s2], $0x80, v32, vm0, $0xb8;
	[tilespmem:$0x10200] =	vst v63  }
0x6b: {  	v32 =	vld [tilespmem:$0x120];
	_ =	sdelay $0x4  }
0x6c: {  	v32 =	vadd.s32 v18, v32;
	_ =	sdelay $0x4  }
0x6d: {  	[tilespmem:s14], [sflag:$0x3] =	stream.indirect_vreg.gather [hbm4b:s3+s2], $0x80, v32, vm0, $0xb8;
	[tilespmem:$0x10200] =	vst v63  }
0x6e: {  	v32 =	vld [tilespmem:$0x130];
	_ =	sdelay $0x4  }
0x6f: {  	v32 =	vadd.s32 v19, v32;
	_ =	sdelay $0x4  }
0x70: {  	[tilespmem:s15], [sflag:$0x4] =	stream.indirect_vreg.gather [hbm4b:s3+s2], $0x80, v32, vm0, $0xb8;
	[tilespmem:$0x10200] =	vst v63  }
0x71: {  	v32 =	vld [tilespmem:$0x140];
	_ =	sdelay $0x4  }
0x72: {  	v32 =	vadd.s32 v20, v32;
	_ =	sdelay $0x4  }
0x73: {  	[tilespmem:s16], [sflag:$0x1] =	stream.indirect_vreg.gather [hbm4b:s3+s2], $0x80, v32, vm0, $0xb8;
	[tilespmem:$0x10200] =	vst v63  }
0x74: {  	v32 =	vld [tilespmem:$0x150];
	_ =	sdelay $0x4  }
0x75: {  	v32 =	vadd.s32 v21, v32;
	_ =	sdelay $0x4  }
0x76: {  	[tilespmem:s17], [sflag:$0x2] =	stream.indirect_vreg.gather [hbm4b:s3+s2], $0x80, v32, vm0, $0xb8;
	[tilespmem:$0x10200] =	vst v63  }
0x77: {  	v32 =	vld [tilespmem:$0x160];
	_ =	sdelay $0x4  }
0x78: {  	v32 =	vadd.s32 v22, v32;
	_ =	sdelay $0x4  }
0x79: {  	[tilespmem:s18], [sflag:$0x3] =	stream.indirect_vreg.gather [hbm4b:s3+s2], $0x80, v32, vm0, $0xb8;
	[tilespmem:$0x10200] =	vst v63  }
0x7a: {  	v32 =	vld [tilespmem:$0x170];
	_ =	sdelay $0x4  }
0x7b: {  	v32 =	vadd.s32 v23, v32;
	_ =	sdelay $0x4  }
0x7c: {  	[tilespmem:s19], [sflag:$0x4] =	stream.indirect_vreg.gather [hbm4b:s3+s2], $0x80, v32, vm0, $0xb8;
	[tilespmem:$0x10200] =	vst v63  }
0x7d: {  	v32 =	vld [tilespmem:$0x180];
	_ =	sdelay $0x4  }
0x7e: {  	v32 =	vadd.s32 v24, v32;
	_ =	sdelay $0x4  }
0x7f: {  	[tilespmem:s20], [sflag:$0x1] =	stream.indirect_vreg.gather [hbm4b:s3+s2], $0x80, v32, vm0, $0xb8;
	[tilespmem:$0x10200] =	vst v63  }
0x80: {  	v32 =	vld [tilespmem:$0x190];
	_ =	sdelay $0x4  }
0x81: {  	v32 =	vadd.s32 v25, v32;
	_ =	sdelay $0x4  }
0x82: {  	[tilespmem:s21], [sflag:$0x2] =	stream.indirect_vreg.gather [hbm4b:s3+s2], $0x80, v32, vm0, $0xb8;
	[tilespmem:$0x10200] =	vst v63  }
0x83: {  	v32 =	vld [tilespmem:$0x1A0];
	_ =	sdelay $0x4  }
0x84: {  	v32 =	vadd.s32 v26, v32;
	_ =	sdelay $0x4  }
0x85: {  	[tilespmem:s22], [sflag:$0x3] =	stream.indirect_vreg.gather [hbm4b:s3+s2], $0x80, v32, vm0, $0xb8;
	[tilespmem:$0x10200] =	vst v63  }
0x86: {  	v32 =	vld [tilespmem:$0x1B0];
	_ =	sdelay $0x4  }
0x87: {  	v32 =	vadd.s32 v27, v32;
	_ =	sdelay $0x4  }
0x88: {  	[tilespmem:s23], [sflag:$0x4] =	stream.indirect_vreg.gather [hbm4b:s3+s2], $0x80, v32, vm0, $0xb8;
	[tilespmem:$0x10200] =	vst v63  }
0x89: {  	v32 =	vld [tilespmem:$0x1C0];
	_ =	sdelay $0x4  }
0x8a: {  	v32 =	vadd.s32 v28, v32;
	_ =	sdelay $0x4  }
0x8b: {  	[tilespmem:s24], [sflag:$0x1] =	stream.indirect_vreg.gather [hbm4b:s3+s2], $0x80, v32, vm0, $0xb8;
	[tilespmem:$0x10200] =	vst v63  }
0x8c: {  	v32 =	vld [tilespmem:$0x1D0];
	_ =	sdelay $0x4  }
0x8d: {  	v32 =	vadd.s32 v29, v32;
	_ =	sdelay $0x4  }
0x8e: {  	[tilespmem:s25], [sflag:$0x2] =	stream.indirect_vreg.gather [hbm4b:s3+s2], $0x80, v32, vm0, $0xb8;
	[tilespmem:$0x10200] =	vst v63  }
0x8f: {  	v32 =	vld [tilespmem:$0x1E0];
	_ =	sdelay $0x4  }
0x90: {  	v32 =	vadd.s32 v30, v32;
	_ =	sdelay $0x4  }
0x91: {  	[tilespmem:s26], [sflag:$0x3] =	stream.indirect_vreg.gather [hbm4b:s3+s2], $0x80, v32, vm0, $0xb8;
	[tilespmem:$0x10200] =	vst v63  }
0x92: {  	v32 =	vld [tilespmem:$0x1F0];
	_ =	sdelay $0x4  }
0x93: {  	v32 =	vadd.s32 v31, v32;
	_ =	sdelay $0x4  }
0x94: {  	[tilespmem:s28], [sflag:$0x4] =	stream.indirect_vreg.gather [hbm4b:s3+s2], $0x80, v32, vm0, $0xb8;
	[tilespmem:$0x10200] =	vst v63  }
0x95: {  	_ =	swait.ge [sflag:s29], $0x800  }
0x96: {  	[sflag:s29] =	ssyncset.done $0x0  }
0x97: {  	[sflag:s29] =	ssyncadd.s32 $0xFFFFF800  }
0x98: {  	_ =	swait.ge [sflag:s30], $0x800  }
0x99: {  	[sflag:s30] =	ssyncset.done $0x0  }
0x9a: {  	[sflag:s30] =	ssyncadd.s32 $0xFFFFF800  }
0x9b: {  	_ =	swait.ge [sflag:s31], $0x800  }
0x9c: {  	[sflag:s31] =	ssyncset.done $0x0  }
0x9d: {  	[sflag:s31] =	ssyncadd.s32 $0xFFFFF800  }
0x9e: {  	_ =	swait.ge [sflag:s1], $0x800  }
0x9f: {  	[sflag:s1] =	ssyncset.done $0x0  }
0xa0: {  	[sflag:s1] =	ssyncadd.s32 $0xFFFFF800  }
0xa1: {  	_ =	swait.ge [sflag:s29], $0x800  }
0xa2: {  	[sflag:s29] =	ssyncset.done $0x0  }
0xa3: {  	[sflag:s29] =	ssyncadd.s32 $0xFFFFF800  }
0xa4: {  	_ =	swait.ge [sflag:s30], $0x800  }
0xa5: {  	[sflag:s30] =	ssyncset.done $0x0  }
0xa6: {  	[sflag:s30] =	ssyncadd.s32 $0xFFFFF800  }
0xa7: {  	_ =	swait.ge [sflag:s31], $0x800  }
0xa8: {  	[sflag:s31] =	ssyncset.done $0x0  }
0xa9: {  	[sflag:s31] =	ssyncadd.s32 $0xFFFFF800  }
0xaa: {  	_ =	swait.ge [sflag:s1], $0x800  }
0xab: {  	[sflag:s1] =	ssyncset.done $0x0  }
0xac: {  	[sflag:s1] =	ssyncadd.s32 $0xFFFFF800  }
0xad: {  	_ =	swait.ge [sflag:s29], $0x800  }
0xae: {  	[sflag:s29] =	ssyncset.done $0x0  }
0xaf: {  	[sflag:s29] =	ssyncadd.s32 $0xFFFFF800  }
0xb0: {  	_ =	swait.ge [sflag:s30], $0x800  }
0xb1: {  	[sflag:s30] =	ssyncset.done $0x0  }
0xb2: {  	[sflag:s30] =	ssyncadd.s32 $0xFFFFF800  }
0xb3: {  	_ =	swait.ge [sflag:s31], $0x800  }
0xb4: {  	[sflag:s31] =	ssyncset.done $0x0  }
0xb5: {  	[sflag:s31] =	ssyncadd.s32 $0xFFFFF800  }
0xb6: {  	_ =	swait.ge [sflag:s1], $0x800  }
0xb7: {  	[sflag:s1] =	ssyncset.done $0x0  }
0xb8: {  	[sflag:s1] =	ssyncadd.s32 $0xFFFFF800  }
0xb9: {  	_ =	swait.ge [sflag:s29], $0x800  }
0xba: {  	[sflag:s29] =	ssyncset.done $0x0  }
0xbb: {  	[sflag:s29] =	ssyncadd.s32 $0xFFFFF800  }
0xbc: {  	_ =	swait.ge [sflag:s30], $0x800  }
0xbd: {  	[sflag:s30] =	ssyncset.done $0x0  }
0xbe: {  	[sflag:s30] =	ssyncadd.s32 $0xFFFFF800  }
0xbf: {  	_ =	swait.ge [sflag:s31], $0x800  }
0xc0: {  	[sflag:s31] =	ssyncset.done $0x0  }
0xc1: {  	[sflag:s31] =	ssyncadd.s32 $0xFFFFF800  }
0xc2: {  	_ =	swait.ge [sflag:s1], $0x800  }
0xc3: {  	[sflag:s1] =	ssyncset.done $0x0  }
0xc4: {  	[sflag:s1] =	ssyncadd.s32 $0xFFFFF800  }
0xc5: {  	_ =	swait.ge [sflag:s29], $0x800  }
0xc6: {  	[sflag:s29] =	ssyncset.done $0x0  }
0xc7: {  	[sflag:s29] =	ssyncadd.s32 $0xFFFFF800  }
0xc8: {  	_ =	swait.ge [sflag:s30], $0x800  }
0xc9: {  	[sflag:s30] =	ssyncset.done $0x0  }
0xca: {  	[sflag:s30] =	ssyncadd.s32 $0xFFFFF800  }
0xcb: {  	_ =	swait.ge [sflag:s31], $0x800  }
0xcc: {  	[sflag:s31] =	ssyncset.done $0x0  }
0xcd: {  	[sflag:s31] =	ssyncadd.s32 $0xFFFFF800  }
0xce: {  	_ =	swait.ge [sflag:s1], $0x800  }
0xcf: {  	[sflag:s1] =	ssyncset.done $0x0  }
0xd0: {  	[sflag:s1] =	ssyncadd.s32 $0xFFFFF800  }
0xd1: {  	_ =	swait.ge [sflag:s29], $0x800  }
0xd2: {  	[sflag:s29] =	ssyncset.done $0x0  }
0xd3: {  	[sflag:s29] =	ssyncadd.s32 $0xFFFFF800  }
0xd4: {  	_ =	swait.ge [sflag:s30], $0x800  }
0xd5: {  	[sflag:s30] =	ssyncset.done $0x0  }
0xd6: {  	[sflag:s30] =	ssyncadd.s32 $0xFFFFF800  }
0xd7: {  	_ =	swait.ge [sflag:s31], $0x800  }
0xd8: {  	[sflag:s31] =	ssyncset.done $0x0  }
0xd9: {  	[sflag:s31] =	ssyncadd.s32 $0xFFFFF800  }
0xda: {  	_ =	swait.ge [sflag:s1], $0x800  }
0xdb: {  	[sflag:s1] =	ssyncset.done $0x0  }
0xdc: {  	[sflag:s1] =	ssyncadd.s32 $0xFFFFF800  }
0xdd: {  	_ =	swait.ge [sflag:s29], $0x800  }
0xde: {  	[sflag:s29] =	ssyncset.done $0x0  }
0xdf: {  	[sflag:s29] =	ssyncadd.s32 $0xFFFFF800  }
0xe0: {  	_ =	swait.ge [sflag:s30], $0x800  }
0xe1: {  	[sflag:s30] =	ssyncset.done $0x0  }
0xe2: {  	[sflag:s30] =	ssyncadd.s32 $0xFFFFF800  }
0xe3: {  	_ =	swait.ge [sflag:s31], $0x800  }
0xe4: {  	[sflag:s31] =	ssyncset.done $0x0  }
0xe5: {  	[sflag:s31] =	ssyncadd.s32 $0xFFFFF800  }
0xe6: {  	_ =	swait.ge [sflag:s1], $0x800  }
0xe7: {  	[sflag:s1] =	ssyncset.done $0x0  }
0xe8: {  	[sflag:s1] =	ssyncadd.s32 $0xFFFFF800  }
0xe9: {  	_ =	swait.ge [sflag:s29], $0x800  }
0xea: {  	[sflag:s29] =	ssyncset.done $0x0  }
0xeb: {  	[sflag:s29] =	ssyncadd.s32 $0xFFFFF800  }
0xec: {  	_ =	swait.ge [sflag:s30], $0x800  }
0xed: {  	[sflag:s30] =	ssyncset.done $0x0  }
0xee: {  	[sflag:s30] =	ssyncadd.s32 $0xFFFFF800  }
0xef: {  	_ =	swait.ge [sflag:s31], $0x800  }
0xf0: {  	[sflag:s31] =	ssyncset.done $0x0  }
0xf1: {  	[sflag:s31] =	ssyncadd.s32 $0xFFFFF800  }
0xf2: {  	_ =	swait.ge [sflag:s1], $0x800  }
0xf3: {  	p0 =	sne.s32 s4, $0x1;
	[sflag:s1] =	ssyncset.done $0x0  }
.Ltmp0:
0xf4: {  	s0 =	rddreg [dreg:$0x5];
	[sflag:s1] =	ssyncadd.s32 $0xFFFFF800;
	(pc) =	sbr.rel @p0 .LBB2_1-.Ltmp0, $4  }
0xf5: {  	[hbm4b:s0+s2] =	stream.linear.scatter [tilespmem:s6], [sflag:$0x5], $0x10000, $0x38;
	[tilespmem:$0x10200] =	vst v63  }
0xf6: {  	_ =	swait.ge [sflag:s5], $0x10000  }
0xf7: {  	[sflag:s5] =	ssyncset.done $0x0  }
0xf8: {  	s4 =	sadd.s32 $0xFFFFFFFF, s4;
	[sflag:s5] =	ssyncadd.s32 $0xFFFF0000  }
0xf9: {  	_ =	sfence.sel $0x180000  }
0xfa: {  	[bflag:$0x0] =	sbarrier.arrive $0xFFFF  }
0xfb: {  	_ =	strace $0x90000047  }
0xfc: {  	s0 =	stileid.u32;
	[bflag:$0x2] =	sbarrier.arrive $0xFFFF  }
0xfd: {  	p0 =	sne.s32 s0, $0x0;
	s0 =	rddreg [dreg:$0x3]  }
0xfe: {  	s0 =	sadd.s32 @!p0 $0x100000, s0  }
0xff: {  	[sflag:s0] =	ssyncadd.tile.s32 @!p0 $0x1;
	_ =	shalt  }
.Lfunc_end2:
_tile_overlayer_lowered:
.L_overlay_start_2:
0x100: {  	(tag) =	ssettag $0x2  }
0x101: {  	s0 =	rddreg [dreg:$0x0];
	s2 =	stileid.u32  }
0x102: {  	s1 =	rddreg [dreg:$0x1];
	p0 =	sne.s32 s2, $0x0  }
0x103: {  	s3 =	rddreg [dreg:$0x2];
	[bflag:$0x3] =	sbarrier.arrive $0xFFFF;
	s2 =	simm.s32 @!p0 $0x1C05  }
0x104: {  	[timem:s3], [sflag:s2] =	dma.local @!p0 [hbm:s0], s1  }
0x105: {  	s0 =	simm.s32 @!p0 $0x5  }
0x106: {  	_ =	swait.ge @!p0 [sflag:s0], s1  }
0x107: {  	s1 =	ssub.s32 @!p0 $0x0, s1;
	[sflag:s0] =	ssyncset.done @!p0 $0x0  }
0x108: {  	[sflag:s0] =	ssyncadd.s32 @!p0 s1  }
0x109: {  	[bflag:$0x3] =	sbarrier.arrive $0xFFFF  }
0x10a: {  	_ =	shalt  }

</sc_bundles>
